<compile_context>
chip_gen: v7x
topology: tpu7x:2x2x1
jax: 0.10.2.dev20260603
libtpu: 0.0.44.dev20260713+nightly
codegen_flags: <defaults>
</compile_context>

<pallas_src>
import jax
import jax.numpy as jnp
from jax import lax
from jax.experimental import pallas as pl
from jax.experimental.pallas import tpu as pltpu
from jax.experimental.pallas import tpu_sc as plsc

E = 16
K = 2
BLK = 256
NP = 8192
P = NP + E * BLK
NB = P // BLK

NC = 2
NS = 16
NW = NC * NS
PER_W = NP // NW
CHUNK = 32
NPAIR = PER_W // (2 * CHUNK)


def _cumsum_axis1(x):
    n = x.shape[1]
    s = 1
    while s < n:
        x = x + jnp.concatenate(
            [jnp.zeros((x.shape[0], s), x.dtype), x[:, :-s]], axis=1)
        s *= 2
    return x


def _routing_body(idx_ref, dest_ref, be_ref, tb_ref):
    idx = idx_ref[...]
    e_iota = lax.broadcasted_iota(jnp.int32, (E, NP), 0)
    oh = (jnp.broadcast_to(idx, (E, NP)) == e_iota).astype(jnp.int32)
    cum = _cumsum_axis1(oh)
    rank = jnp.sum(jnp.where(oh == 1, cum - 1, 0), axis=0, keepdims=True)
    counts = cum[:, NP - 1:NP]
    nbk = (counts + (BLK - 1)) // BLK
    cc = nbk
    s = 1
    while s < E:
        cc = cc + jnp.concatenate(
            [jnp.zeros((s, 1), jnp.int32), cc[:-s, :]], axis=0)
        s *= 2
    blk_off = cc - nbk
    tb_ref[...] = cc[E - 1:E, :]
    dest_ref[...] = jnp.sum(
        jnp.where(oh == 1, jnp.broadcast_to(blk_off * BLK, (E, NP)), 0),
        axis=0, keepdims=True) + rank
    b_iota = lax.broadcasted_iota(jnp.int32, (E, NB), 1)
    cmp = (b_iota >= jnp.broadcast_to(blk_off, (E, NB))).astype(jnp.int32)
    be = jnp.sum(cmp, axis=0, keepdims=True) - 1
    be_ref[...] = jnp.clip(be, 0, E - 1)


def _routing(idx2):
    return pl.pallas_call(
        _routing_body,
        out_shape=(
            jax.ShapeDtypeStruct((1, NP), jnp.int32),
            jax.ShapeDtypeStruct((1, NB), jnp.int32),
            jax.ShapeDtypeStruct((1, 1), jnp.int32),
        ),
    )(idx2)


def _dispatch_body(x_hbm, dest_hbm, xs_hbm, didx0, didx1, sidx0, sidx1,
                   rows0, rows1, sg0, sg1, ss0, ss1):
    wid = lax.axis_index("s") * NC + lax.axis_index("c")
    base_w = wid * PER_W

    def load_idx(i, didx, sidx):
        base = base_w + i * CHUNK
        pltpu.sync_copy(dest_hbm.at[pl.ds(base, CHUNK)], didx)
        for v in range(CHUNK // 16):
            vec = jnp.bitwise_and(
                base + v * 16 + lax.broadcasted_iota(jnp.int32, (16,), 0),
                NP // K - 1)
            sidx[pl.ds(v * 16, 16)] = vec

    def pair(g, carry):
        @pl.when(g > 0)
        def _():
            pltpu.make_async_copy(rows0, xs_hbm.at[didx0], ss0).wait()
            pltpu.make_async_copy(rows1, xs_hbm.at[didx1], ss1).wait()

        i0 = g * 2
        load_idx(i0, didx0, sidx0)
        pltpu.async_copy(x_hbm.at[sidx0], rows0, sg0)
        load_idx(i0 + 1, didx1, sidx1)
        pltpu.async_copy(x_hbm.at[sidx1], rows1, sg1)
        pltpu.make_async_copy(x_hbm.at[sidx0], rows0, sg0).wait()
        pltpu.async_copy(rows0, xs_hbm.at[didx0], ss0)
        pltpu.make_async_copy(x_hbm.at[sidx1], rows1, sg1).wait()
        pltpu.async_copy(rows1, xs_hbm.at[didx1], ss1)
        return carry

    lax.fori_loop(0, NPAIR, pair, 0)
    pltpu.make_async_copy(rows0, xs_hbm.at[didx0], ss0).wait()
    pltpu.make_async_copy(rows1, xs_hbm.at[didx1], ss1).wait()


def _dispatch(x, dest):
    D = x.shape[1]
    mesh = plsc.VectorSubcoreMesh(core_axis_name="c", subcore_axis_name="s")
    fn = pl.kernel(
        _dispatch_body,
        out_type=jax.ShapeDtypeStruct((P, D), jnp.float32),
        mesh=mesh,
        scratch_types=[
            pltpu.VMEM((CHUNK,), jnp.int32),
            pltpu.VMEM((CHUNK,), jnp.int32),
            pltpu.VMEM((CHUNK,), jnp.int32),
            pltpu.VMEM((CHUNK,), jnp.int32),
            pltpu.VMEM((CHUNK, D), jnp.float32),
            pltpu.VMEM((CHUNK, D), jnp.float32),
            pltpu.SemaphoreType.DMA,
            pltpu.SemaphoreType.DMA,
            pltpu.SemaphoreType.DMA,
            pltpu.SemaphoreType.DMA,
        ],
    )
    return fn(x, dest)


def _matmul_body(be_ref, tb_ref, x_ref, w_ref, b_ref, o_ref):
    blk = pl.program_id(0)

    @pl.when(blk < tb_ref[0])
    def _():
        acc = lax.dot_general(
            x_ref[...], w_ref[0],
            dimension_numbers=(((1,), (1,)), ((), ())),
            preferred_element_type=jnp.float32)
        o_ref[...] = acc + b_ref[0]


def _matmul(xs, W, bias, be, tb):
    D = xs.shape[1]
    grid_spec = pltpu.PrefetchScalarGridSpec(
        num_scalar_prefetch=2,
        grid=(NB,),
        in_specs=[
            pl.BlockSpec((BLK, D),
                         lambda b, be, tb: (jnp.where(b < tb[0], b, 0), 0)),
            pl.BlockSpec((1, D, D), lambda b, be, tb: (be[b], 0, 0)),
            pl.BlockSpec((1, 1, D), lambda b, be, tb: (be[b], 0, 0)),
        ],
        out_specs=pl.BlockSpec(
            (BLK, D), lambda b, be, tb: (jnp.where(b < tb[0], b, NB - 1), 0)),
    )
    return pl.pallas_call(
        _matmul_body,
        grid_spec=grid_spec,
        out_shape=jax.ShapeDtypeStruct((P, D), jnp.float32),
    )(be, tb, xs, W, bias.reshape(E, 1, D))


def _combine_body(ys_hbm, dest_hbm, out_hbm, didx0, didx1, rows0, rows1,
                  sg0, sg1):
    wid = lax.axis_index("s") * NC + lax.axis_index("c")
    kk = wid // (NW // K)
    n0 = (wid % (NW // K)) * PER_W
    bb = n0 // (NP // K // 2)
    s_base = n0 % (NP // K // 2)

    def pair(g, carry):
        i0 = g * 2
        s0 = s_base + i0 * CHUNK
        p0 = kk * (NP // K) + n0 + i0 * CHUNK

        @pl.when(g > 0)
        def _():
            pltpu.make_async_copy(
                rows0, out_hbm.at[bb, pl.ds(s0 - 2 * CHUNK, CHUNK), kk], sg0).wait()
            pltpu.make_async_copy(
                rows1, out_hbm.at[bb, pl.ds(s0 - CHUNK, CHUNK), kk], sg1).wait()

        pltpu.sync_copy(dest_hbm.at[pl.ds(p0, CHUNK)], didx0)
        pltpu.async_copy(ys_hbm.at[didx0], rows0, sg0)
        pltpu.sync_copy(dest_hbm.at[pl.ds(p0 + CHUNK, CHUNK)], didx1)
        pltpu.async_copy(ys_hbm.at[didx1], rows1, sg1)
        pltpu.make_async_copy(ys_hbm.at[didx0], rows0, sg0).wait()
        pltpu.async_copy(rows0, out_hbm.at[bb, pl.ds(s0, CHUNK), kk], sg0)
        pltpu.make_async_copy(ys_hbm.at[didx1], rows1, sg1).wait()
        pltpu.async_copy(rows1, out_hbm.at[bb, pl.ds(s0 + CHUNK, CHUNK), kk], sg1)
        return carry

    lax.fori_loop(0, NPAIR, pair, 0)
    s_last = s_base + (NPAIR * 2 - 2) * CHUNK
    pltpu.make_async_copy(
        rows0, out_hbm.at[bb, pl.ds(s_last, CHUNK), kk], sg0).wait()
    pltpu.make_async_copy(
        rows1, out_hbm.at[bb, pl.ds(s_last + CHUNK, CHUNK), kk], sg1).wait()


def _combine(ys, dest, Bb, Ss):
    D = ys.shape[1]
    mesh = plsc.VectorSubcoreMesh(core_axis_name="c", subcore_axis_name="s")
    fn = pl.kernel(
        _combine_body,
        out_type=jax.ShapeDtypeStruct((Bb, Ss, K, D), jnp.float32),
        mesh=mesh,
        scratch_types=[
            pltpu.VMEM((CHUNK,), jnp.int32),
            pltpu.VMEM((CHUNK,), jnp.int32),
            pltpu.VMEM((CHUNK, D), jnp.float32),
            pltpu.VMEM((CHUNK, D), jnp.float32),
            pltpu.SemaphoreType.DMA,
            pltpu.SemaphoreType.DMA,
        ],
    )
    return fn(ys, dest)


def kernel(inputs, expert_indices, W, bias):
    Bb, Ss, Dd = inputs.shape
    x = inputs.reshape(Bb * Ss, Dd)
    idx2 = (expert_indices.reshape(Bb * Ss, K).T
            .reshape(1, NP).astype(jnp.int32))
    dest2, be2, tb2 = _routing(idx2)
    dest = dest2.reshape(NP)
    xs = _dispatch(x, dest)
    ys = _matmul(xs, W, bias, be2.reshape(NB), tb2.reshape(1))
    return _combine(ys, dest, Bb, Ss)

# --- scband reference (transcript-rebuilt; emitter-appended) ---
"""Pipeline reference for scband-praxis-expert-58128087384380 (READ-ONLY COPY).

The authoritative reference and input builder live on the scoring server;
editing this copy changes nothing except your own understanding.
"""

import jax, jax.numpy as jnp
import numpy as np

NUM_EXPERTS = 16
TOP_K = 2
B = 2
S = 2048
D = 1024


def setup_inputs(seed: int = 0) -> dict:
    key = jax.random.key(seed)
    k1, k2, k3, k4 = jax.random.split(key, 4)
    inputs = jax.random.normal(k1, (B, S, D), dtype=jnp.float32)
    expert_indices = jax.random.randint(k2, (B, S, TOP_K), 0, NUM_EXPERTS, dtype=jnp.int32)
    # experts are nn.Linear(D, D): weight [E, D, D] (out, in layout per expert), bias [E, D]
    W = jax.random.normal(k3, (NUM_EXPERTS, D, D), dtype=jnp.float32) * (1.0 / np.sqrt(D))
    bias = jax.random.normal(k4, (NUM_EXPERTS, D), dtype=jnp.float32) * 0.02
    return {"inputs": inputs, "expert_indices": expert_indices, "W": W, "bias": bias}


def reference(inputs, expert_indices, W, bias):
    # inputs: [B, S, D]; expert_indices: [B, S, K] int
    Bb, Ss, Dd = inputs.shape
    N = Bb * Ss
    x = inputs.reshape(N, Dd)
    idx = expert_indices.reshape(N, TOP_K)
    # Original loops over experts applying each Linear to its masked token subset;
    # equivalently compute every expert's Linear on all tokens, then gather the
    # selected expert's output per (token, slot). torch Linear: y = x @ W_e.T + b_e
    all_out = jnp.einsum('nd,efd->enf', x, W) + bias[:, None, :]  # [E, N, D]
    n_ar = jnp.arange(N)
    slots = [all_out[idx[:, i], n_ar] for i in range(TOP_K)]  # each [N, D]
    out = jnp.stack(slots, axis=1)  # [N, K, D]
    return out.reshape(Bb, Ss, TOP_K, Dd)

if __name__ == "__main__":
    import jax
    _d = setup_inputs()
    print(jax.jit(kernel)(*tuple(_d.values())))

</pallas_src>

<mosaic_0001>
#map = affine_map<(d0, d1) -> (0, 0)>
#map1 = affine_map<(d0, d1) -> (0)>
#map2 = affine_map<(d0, d1) -> (0, 0, 0, 0)>
module attributes {stable_mosaic.version = 14 : i64} {
  func.func @_combine_body(%arg0: i32, %arg1: i32, %arg2: memref<12288x1024xf32, #tpu.memory_space<hbm>>, %arg3: memref<8192xi32, #tpu.memory_space<hbm>>, %arg4: memref<2x2048x2x1024xf32, #tpu.memory_space<hbm>>, %arg5: memref<32xi32, #tpu.memory_space<vmem>>, %arg6: memref<32xi32, #tpu.memory_space<vmem>>, %arg7: memref<32x1024xf32, #tpu.memory_space<vmem>>, %arg8: memref<32x1024xf32, #tpu.memory_space<vmem>>, %arg9: memref<!tpu.dma_semaphore, #tpu.memory_space<semaphore_mem>>, %arg10: memref<!tpu.dma_semaphore, #tpu.memory_space<semaphore_mem>>) attributes {dimension_semantics = [#tpu.dimension_semantics<core_parallel>, #tpu.dimension_semantics<subcore_parallel>], iteration_bounds = array<i64: 2, 16>, scalar_prefetch = 0 : i64, scratch_operands = 6 : i64, tpu.core_type = #tpu.core_type<sc_vector_subcore>, window_params = [{transform_indices = #map}, {transform_indices = #map1}, {transform_indices = #map2}]} {
    %mul3A = arith.constant 2 : i32
    %mul3A_0 = arith.muli %arg1, %mul3A : i32
    %add3A = arith.addi %mul3A_0, %arg0 : i32
    %jit3A = arith.constant 16 : i32
    %div3A = arith.divsi %add3A, %jit3A : i32
    %sign3A = arith.constant 0 : i32
    %sign3A_1 = arith.cmpi sgt, %add3A, %sign3A : i32
    %sign3A_2 = arith.extui %sign3A_1 : i1 to i32
    %sign3A_3 = arith.constant 0 : i32
    %sign3A_4 = arith.cmpi slt, %add3A, %sign3A_3 : i32
    %sign3A_5 = arith.extui %sign3A_4 : i1 to i32
    %sign3A_6 = arith.subi %sign3A_2, %sign3A_5 : i32
    %sign3A_7 = arith.constant 0 : i32
    %sign3A_8 = arith.cmpi sgt, %jit3A, %sign3A_7 : i32
    %sign3A_9 = arith.extui %sign3A_8 : i1 to i32
    %sign3A_10 = arith.constant 0 : i32
    %sign3A_11 = arith.cmpi slt, %jit3A, %sign3A_10 : i32
    %sign3A_12 = arith.extui %sign3A_11 : i1 to i32
    %sign3A_13 = arith.subi %sign3A_9, %sign3A_12 : i32
    %ne3A = arith.cmpi ne, %sign3A_6, %sign3A_13 : i32
    %rem3A = arith.remsi %add3A, %jit3A : i32
    %ne3A_14 = arith.constant 0 : i32
    %ne3A_15 = arith.cmpi ne, %rem3A, %ne3A_14 : i32
    %and3A = arith.andi %ne3A, %ne3A_15 : i1
    %sub3A = arith.constant 1 : i32
    %sub3A_16 = arith.subi %div3A, %sub3A : i32
    %select_n3A = arith.select %and3A, %sub3A_16, %div3A : i32
    %jit3A_17 = arith.constant 16 : i32
    %eq3A = arith.constant 0 : i32
    %eq3A_18 = arith.cmpi eq, %jit3A_17, %eq3A : i32
    %jit3A_19 = arith.constant 1 : i32
    %select_n3A_20 = arith.select %eq3A_18, %jit3A_19, %jit3A_17 : i32
    %rem3A_21 = arith.remsi %add3A, %select_n3A_20 : i32
    %ne3A_22 = arith.constant 0 : i32
    %ne3A_23 = arith.cmpi ne, %rem3A_21, %ne3A_22 : i32
    %lt3A = arith.constant 0 : i32
    %lt3A_24 = arith.cmpi slt, %rem3A_21, %lt3A : i32
    %lt3A_25 = arith.constant 0 : i32
    %lt3A_26 = arith.cmpi slt, %select_n3A_20, %lt3A_25 : i32
    %ne3A_27 = arith.xori %lt3A_24, %lt3A_26 : i1
    %and3A_28 = arith.andi %ne3A_27, %ne3A_23 : i1
    %add3A_29 = arith.addi %rem3A_21, %select_n3A_20 : i32
    %select_n3A_30 = arith.select %and3A_28, %add3A_29, %rem3A_21 : i32
    %mul3A_31 = arith.constant 256 : i32
    %mul3A_32 = arith.muli %select_n3A_30, %mul3A_31 : i32
    %jit3A_33 = arith.constant 2048 : i32
    %div3A_34 = arith.divsi %mul3A_32, %jit3A_33 : i32
    %sign3A_35 = arith.constant 0 : i32
    %sign3A_36 = arith.cmpi sgt, %mul3A_32, %sign3A_35 : i32
    %sign3A_37 = arith.extui %sign3A_36 : i1 to i32
    %sign3A_38 = arith.constant 0 : i32
    %sign3A_39 = arith.cmpi slt, %mul3A_32, %sign3A_38 : i32
    %sign3A_40 = arith.extui %sign3A_39 : i1 to i32
    %sign3A_41 = arith.subi %sign3A_37, %sign3A_40 : i32
    %sign3A_42 = arith.constant 0 : i32
    %sign3A_43 = arith.cmpi sgt, %jit3A_33, %sign3A_42 : i32
    %sign3A_44 = arith.extui %sign3A_43 : i1 to i32
    %sign3A_45 = arith.constant 0 : i32
    %sign3A_46 = arith.cmpi slt, %jit3A_33, %sign3A_45 : i32
    %sign3A_47 = arith.extui %sign3A_46 : i1 to i32
    %sign3A_48 = arith.subi %sign3A_44, %sign3A_47 : i32
    %ne3A_49 = arith.cmpi ne, %sign3A_41, %sign3A_48 : i32
    %rem3A_50 = arith.remsi %mul3A_32, %jit3A_33 : i32
    %ne3A_51 = arith.constant 0 : i32
    %ne3A_52 = arith.cmpi ne, %rem3A_50, %ne3A_51 : i32
    %and3A_53 = arith.andi %ne3A_49, %ne3A_52 : i1
    %sub3A_54 = arith.constant 1 : i32
    %sub3A_55 = arith.subi %div3A_34, %sub3A_54 : i32
    %select_n3A_56 = arith.select %and3A_53, %sub3A_55, %div3A_34 : i32
    %jit3A_57 = arith.constant 2048 : i32
    %eq3A_58 = arith.constant 0 : i32
    %eq3A_59 = arith.cmpi eq, %jit3A_57, %eq3A_58 : i32
    %jit3A_60 = arith.constant 1 : i32
    %select_n3A_61 = arith.select %eq3A_59, %jit3A_60, %jit3A_57 : i32
    %rem3A_62 = arith.remsi %mul3A_32, %select_n3A_61 : i32
    %ne3A_63 = arith.constant 0 : i32
    %ne3A_64 = arith.cmpi ne, %rem3A_62, %ne3A_63 : i32
    %lt3A_65 = arith.constant 0 : i32
    %lt3A_66 = arith.cmpi slt, %rem3A_62, %lt3A_65 : i32
    %lt3A_67 = arith.constant 0 : i32
    %lt3A_68 = arith.cmpi slt, %select_n3A_61, %lt3A_67 : i32
    %ne3A_69 = arith.xori %lt3A_66, %lt3A_68 : i1
    %and3A_70 = arith.andi %ne3A_69, %ne3A_64 : i1
    %add3A_71 = arith.addi %rem3A_62, %select_n3A_61 : i32
    %select_n3A_72 = arith.select %and3A_70, %add3A_71, %rem3A_62 : i32
    %scan3A = arith.constant 0 : i32
    %scan3A_73 = arith.constant 0 : i32
    %scan3A_74 = arith.constant 4 : i32
    %scan3A_75 = arith.addi %scan3A_73, %scan3A_74 : i32
    %scan3A_76 = arith.constant 1 : i32
    scf.for %scan3A_93 = %scan3A_73 to %scan3A_75 step %scan3A_76  : i32 {
      %mul3A_94 = arith.constant 2 : i32
      %mul3A_95 = arith.muli %scan3A_93, %mul3A_94 : i32
      %mul3A_96 = arith.constant 32 : i32
      %mul3A_97 = arith.muli %mul3A_95, %mul3A_96 : i32
      %add3A_98 = arith.addi %select_n3A_72, %mul3A_97 : i32
      %mul3A_99 = arith.constant 4096 : i32
      %mul3A_100 = arith.muli %select_n3A, %mul3A_99 : i32
      %add3A_101 = arith.addi %mul3A_100, %mul3A_32 : i32
      %mul3A_102 = arith.constant 32 : i32
      %mul3A_103 = arith.muli %mul3A_95, %mul3A_102 : i32
      %add3A_104 = arith.addi %add3A_101, %mul3A_103 : i32
      %gt3A = arith.constant 0 : i32
      %gt3A_105 = arith.cmpi sgt, %scan3A_93, %gt3A : i32
      %convert_element_type3A = arith.extui %gt3A_105 : i1 to i32
      %cond3A = arith.constant 0 : i32
      %cond3A_106 = arith.cmpi ne, %convert_element_type3A, %cond3A : i32
      scf.if %cond3A_106 {
        %sub3A_134 = arith.constant 64 : i32
        %sub3A_135 = arith.subi %add3A_98, %sub3A_134 : i32
        %dma_wait3A_136 = arith.constant 0 : i32
        %dma_wait3A_137 = tpu.memref_slice %arg4[%select_n3A_56, %sub3A_135, %select_n3A, %dma_wait3A_136] : memref<2x2048x2x1024xf32, #tpu.memory_space<hbm>> -> memref<1x32x1x1024xf32, #tpu.memory_space<hbm>>
        %dma_wait3A_138 = tpu.memref_squeeze %dma_wait3A_137 : memref<1x32x1x1024xf32, #tpu.memory_space<hbm>> -> memref<32x1024xf32, #tpu.memory_space<hbm>>
        %dma_wait3A_139 = arith.constant 0 : i32
        %dma_wait3A_140 = tpu.memref_slice %arg4[%select_n3A_56, %sub3A_135, %select_n3A, %dma_wait3A_139] : memref<2x2048x2x1024xf32, #tpu.memory_space<hbm>> -> memref<1x32x1x1024xf32, #tpu.memory_space<hbm>>
        %dma_wait3A_141 = tpu.memref_squeeze %dma_wait3A_140 : memref<1x32x1x1024xf32, #tpu.memory_space<hbm>> -> memref<32x1024xf32, #tpu.memory_space<hbm>>
        tpu.wait_dma2 semaphore(%arg9 : memref<!tpu.dma_semaphore, #tpu.memory_space<semaphore_mem>>) src(%arg7 : memref<32x1024xf32, #tpu.memory_space<vmem>>) dst(%dma_wait3A_141 : memref<32x1024xf32, #tpu.memory_space<hbm>>)
        %sub3A_142 = arith.constant 32 : i32
        %sub3A_143 = arith.subi %add3A_98, %sub3A_142 : i32
        %dma_wait3A_144 = arith.constant 0 : i32
        %dma_wait3A_145 = tpu.memref_slice %arg4[%select_n3A_56, %sub3A_143, %select_n3A, %dma_wait3A_144] : memref<2x2048x2x1024xf32, #tpu.memory_space<hbm>> -> memref<1x32x1x1024xf32, #tpu.memory_space<hbm>>
        %dma_wait3A_146 = tpu.memref_squeeze %dma_wait3A_145 : memref<1x32x1x1024xf32, #tpu.memory_space<hbm>> -> memref<32x1024xf32, #tpu.memory_space<hbm>>
        %dma_wait3A_147 = arith.constant 0 : i32
        %dma_wait3A_148 = tpu.memref_slice %arg4[%select_n3A_56, %sub3A_143, %select_n3A, %dma_wait3A_147] : memref<2x2048x2x1024xf32, #tpu.memory_space<hbm>> -> memref<1x32x1x1024xf32, #tpu.memory_space<hbm>>
        %dma_wait3A_149 = tpu.memref_squeeze %dma_wait3A_148 : memref<1x32x1x1024xf32, #tpu.memory_space<hbm>> -> memref<32x1024xf32, #tpu.memory_space<hbm>>
        tpu.wait_dma2 semaphore(%arg10 : memref<!tpu.dma_semaphore, #tpu.memory_space<semaphore_mem>>) src(%arg8 : memref<32x1024xf32, #tpu.memory_space<vmem>>) dst(%dma_wait3A_149 : memref<32x1024xf32, #tpu.memory_space<hbm>>)
      } else {
      }
      "tpu.region"() ({
        %run_scoped3A = tpu.sem_alloc : memref<!tpu.dma_semaphore, #tpu.memory_space<semaphore_mem>>
        %dma_start3A_134 = tpu.memref_slice %arg3[%add3A_104] : memref<8192xi32, #tpu.memory_space<hbm>> -> memref<32xi32, #tpu.memory_space<hbm>>
        %dma_start3A_135 = tpu.memref_slice %arg3[%add3A_104] : memref<8192xi32, #tpu.memory_space<hbm>> -> memref<32xi32, #tpu.memory_space<hbm>>
        tpu.enqueue_dma source(%dma_start3A_135 : memref<32xi32, #tpu.memory_space<hbm>>) target(%arg5 : memref<32xi32, #tpu.memory_space<vmem>>) target_semaphore(%run_scoped3A : memref<!tpu.dma_semaphore, #tpu.memory_space<semaphore_mem>>)
        %dma_wait3A_136 = tpu.memref_slice %arg3[%add3A_104] : memref<8192xi32, #tpu.memory_space<hbm>> -> memref<32xi32, #tpu.memory_space<hbm>>
        %dma_wait3A_137 = tpu.memref_slice %arg3[%add3A_104] : memref<8192xi32, #tpu.memory_space<hbm>> -> memref<32xi32, #tpu.memory_space<hbm>>
        tpu.wait_dma2 semaphore(%run_scoped3A : memref<!tpu.dma_semaphore, #tpu.memory_space<semaphore_mem>>) src(%dma_wait3A_137 : memref<32xi32, #tpu.memory_space<hbm>>) dst(%arg5 : memref<32xi32, #tpu.memory_space<vmem>>)
        tpu.yield
      }) : () -> ()
      %dma_start3A = arith.constant 0 : i32
      %dma_start3A_107 = arith.constant 0 : i32
      %dma_start3A_108 = tpu.memref_slice %arg2[%dma_start3A, %dma_start3A_107] : memref<12288x1024xf32, #tpu.memory_space<hbm>> -> memref<12288x1024xf32, #tpu.memory_space<hbm>>
      tpu.enqueue_indirect_dma source(%dma_start3A_108 : memref<12288x1024xf32, #tpu.memory_space<hbm>>) target(%arg7 : memref<32x1024xf32, #tpu.memory_space<vmem>>) offsets(%arg5 : memref<32xi32, #tpu.memory_space<vmem>>) semaphore(%arg9 : memref<!tpu.dma_semaphore, #tpu.memory_space<semaphore_mem>>)
      %add3A_109 = arith.constant 32 : i32
      %add3A_110 = arith.addi %add3A_104, %add3A_109 : i32
      "tpu.region"() ({
        %run_scoped3A = tpu.sem_alloc : memref<!tpu.dma_semaphore, #tpu.memory_space<semaphore_mem>>
        %dma_start3A_134 = tpu.memref_slice %arg3[%add3A_110] : memref<8192xi32, #tpu.memory_space<hbm>> -> memref<32xi32, #tpu.memory_space<hbm>>
        %dma_start3A_135 = tpu.memref_slice %arg3[%add3A_110] : memref<8192xi32, #tpu.memory_space<hbm>> -> memref<32xi32, #tpu.memory_space<hbm>>
        tpu.enqueue_dma source(%dma_start3A_135 : memref<32xi32, #tpu.memory_space<hbm>>) target(%arg6 : memref<32xi32, #tpu.memory_space<vmem>>) target_semaphore(%run_scoped3A : memref<!tpu.dma_semaphore, #tpu.memory_space<semaphore_mem>>)
        %dma_wait3A_136 = tpu.memref_slice %arg3[%add3A_110] : memref<8192xi32, #tpu.memory_space<hbm>> -> memref<32xi32, #tpu.memory_space<hbm>>
        %dma_wait3A_137 = tpu.memref_slice %arg3[%add3A_110] : memref<8192xi32, #tpu.memory_space<hbm>> -> memref<32xi32, #tpu.memory_space<hbm>>
        tpu.wait_dma2 semaphore(%run_scoped3A : memref<!tpu.dma_semaphore, #tpu.memory_space<semaphore_mem>>) src(%dma_wait3A_137 : memref<32xi32, #tpu.memory_space<hbm>>) dst(%arg6 : memref<32xi32, #tpu.memory_space<vmem>>)
        tpu.yield
      }) : () -> ()
      %dma_start3A_111 = arith.constant 0 : i32
      %dma_start3A_112 = arith.constant 0 : i32
      %dma_start3A_113 = tpu.memref_slice %arg2[%dma_start3A_111, %dma_start3A_112] : memref<12288x1024xf32, #tpu.memory_space<hbm>> -> memref<12288x1024xf32, #tpu.memory_space<hbm>>
      tpu.enqueue_indirect_dma source(%dma_start3A_113 : memref<12288x1024xf32, #tpu.memory_space<hbm>>) target(%arg8 : memref<32x1024xf32, #tpu.memory_space<vmem>>) offsets(%arg6 : memref<32xi32, #tpu.memory_space<vmem>>) semaphore(%arg10 : memref<!tpu.dma_semaphore, #tpu.memory_space<semaphore_mem>>)
      %dma_wait3A_114 = arith.constant 0 : i32
      %dma_wait3A_115 = arith.constant 0 : i32
      %dma_wait3A_116 = tpu.memref_slice %arg2[%dma_wait3A_114, %dma_wait3A_115] : memref<12288x1024xf32, #tpu.memory_space<hbm>> -> memref<12288x1024xf32, #tpu.memory_space<hbm>>
      tpu.wait_indirect_dma semaphore(%arg9 : memref<!tpu.dma_semaphore, #tpu.memory_space<semaphore_mem>>) src(%dma_wait3A_116 : memref<12288x1024xf32, #tpu.memory_space<hbm>>) dst(%arg7 : memref<32x1024xf32, #tpu.memory_space<vmem>>)
      %dma_start3A_117 = arith.constant 0 : i32
      %dma_start3A_118 = tpu.memref_slice %arg4[%select_n3A_56, %add3A_98, %select_n3A, %dma_start3A_117] : memref<2x2048x2x1024xf32, #tpu.memory_space<hbm>> -> memref<1x32x1x1024xf32, #tpu.memory_space<hbm>>
      %dma_start3A_119 = tpu.memref_squeeze %dma_start3A_118 : memref<1x32x1x1024xf32, #tpu.memory_space<hbm>> -> memref<32x1024xf32, #tpu.memory_space<hbm>>
      %dma_start3A_120 = arith.constant 0 : i32
      %dma_start3A_121 = tpu.memref_slice %arg4[%select_n3A_56, %add3A_98, %select_n3A, %dma_start3A_120] : memref<2x2048x2x1024xf32, #tpu.memory_space<hbm>> -> memref<1x32x1x1024xf32, #tpu.memory_space<hbm>>
      %dma_start3A_122 = tpu.memref_squeeze %dma_start3A_121 : memref<1x32x1x1024xf32, #tpu.memory_space<hbm>> -> memref<32x1024xf32, #tpu.memory_space<hbm>>
      tpu.enqueue_dma source(%arg7 : memref<32x1024xf32, #tpu.memory_space<vmem>>) target(%dma_start3A_122 : memref<32x1024xf32, #tpu.memory_space<hbm>>) target_semaphore(%arg9 : memref<!tpu.dma_semaphore, #tpu.memory_space<semaphore_mem>>)
      %dma_wait3A_123 = arith.constant 0 : i32
      %dma_wait3A_124 = arith.constant 0 : i32
      %dma_wait3A_125 = tpu.memref_slice %arg2[%dma_wait3A_123, %dma_wait3A_124] : memref<12288x1024xf32, #tpu.memory_space<hbm>> -> memref<12288x1024xf32, #tpu.memory_space<hbm>>
      tpu.wait_indirect_dma semaphore(%arg10 : memref<!tpu.dma_semaphore, #tpu.memory_space<semaphore_mem>>) src(%dma_wait3A_125 : memref<12288x1024xf32, #tpu.memory_space<hbm>>) dst(%arg8 : memref<32x1024xf32, #tpu.memory_space<vmem>>)
      %add3A_126 = arith.constant 32 : i32
      %add3A_127 = arith.addi %add3A_98, %add3A_126 : i32
      %dma_start3A_128 = arith.constant 0 : i32
      %dma_start3A_129 = tpu.memref_slice %arg4[%select_n3A_56, %add3A_127, %select_n3A, %dma_start3A_128] : memref<2x2048x2x1024xf32, #tpu.memory_space<hbm>> -> memref<1x32x1x1024xf32, #tpu.memory_space<hbm>>
      %dma_start3A_130 = tpu.memref_squeeze %dma_start3A_129 : memref<1x32x1x1024xf32, #tpu.memory_space<hbm>> -> memref<32x1024xf32, #tpu.memory_space<hbm>>
      %dma_start3A_131 = arith.constant 0 : i32
      %dma_start3A_132 = tpu.memref_slice %arg4[%select_n3A_56, %add3A_127, %select_n3A, %dma_start3A_131] : memref<2x2048x2x1024xf32, #tpu.memory_space<hbm>> -> memref<1x32x1x1024xf32, #tpu.memory_space<hbm>>
      %dma_start3A_133 = tpu.memref_squeeze %dma_start3A_132 : memref<1x32x1x1024xf32, #tpu.memory_space<hbm>> -> memref<32x1024xf32, #tpu.memory_space<hbm>>
      tpu.enqueue_dma source(%arg8 : memref<32x1024xf32, #tpu.memory_space<vmem>>) target(%dma_start3A_133 : memref<32x1024xf32, #tpu.memory_space<hbm>>) target_semaphore(%arg10 : memref<!tpu.dma_semaphore, #tpu.memory_space<semaphore_mem>>)
    }
    %scan3A_77 = arith.constant 4 : i32
    %add3A_78 = arith.constant 192 : i32
    %add3A_79 = arith.addi %select_n3A_72, %add3A_78 : i32
    %dma_wait3A = arith.constant 0 : i32
    %dma_wait3A_80 = tpu.memref_slice %arg4[%select_n3A_56, %add3A_79, %select_n3A, %dma_wait3A] : memref<2x2048x2x1024xf32, #tpu.memory_space<hbm>> -> memref<1x32x1x1024xf32, #tpu.memory_space<hbm>>
    %dma_wait3A_81 = tpu.memref_squeeze %dma_wait3A_80 : memref<1x32x1x1024xf32, #tpu.memory_space<hbm>> -> memref<32x1024xf32, #tpu.memory_space<hbm>>
    %dma_wait3A_82 = arith.constant 0 : i32
    %dma_wait3A_83 = tpu.memref_slice %arg4[%select_n3A_56, %add3A_79, %select_n3A, %dma_wait3A_82] : memref<2x2048x2x1024xf32, #tpu.memory_space<hbm>> -> memref<1x32x1x1024xf32, #tpu.memory_space<hbm>>
    %dma_wait3A_84 = tpu.memref_squeeze %dma_wait3A_83 : memref<1x32x1x1024xf32, #tpu.memory_space<hbm>> -> memref<32x1024xf32, #tpu.memory_space<hbm>>
    tpu.wait_dma2 semaphore(%arg9 : memref<!tpu.dma_semaphore, #tpu.memory_space<semaphore_mem>>) src(%arg7 : memref<32x1024xf32, #tpu.memory_space<vmem>>) dst(%dma_wait3A_84 : memref<32x1024xf32, #tpu.memory_space<hbm>>)
    %add3A_85 = arith.constant 32 : i32
    %add3A_86 = arith.addi %add3A_79, %add3A_85 : i32
    %dma_wait3A_87 = arith.constant 0 : i32
    %dma_wait3A_88 = tpu.memref_slice %arg4[%select_n3A_56, %add3A_86, %select_n3A, %dma_wait3A_87] : memref<2x2048x2x1024xf32, #tpu.memory_space<hbm>> -> memref<1x32x1x1024xf32, #tpu.memory_space<hbm>>
    %dma_wait3A_89 = tpu.memref_squeeze %dma_wait3A_88 : memref<1x32x1x1024xf32, #tpu.memory_space<hbm>> -> memref<32x1024xf32, #tpu.memory_space<hbm>>
    %dma_wait3A_90 = arith.constant 0 : i32
    %dma_wait3A_91 = tpu.memref_slice %arg4[%select_n3A_56, %add3A_86, %select_n3A, %dma_wait3A_90] : memref<2x2048x2x1024xf32, #tpu.memory_space<hbm>> -> memref<1x32x1x1024xf32, #tpu.memory_space<hbm>>
    %dma_wait3A_92 = tpu.memref_squeeze %dma_wait3A_91 : memref<1x32x1x1024xf32, #tpu.memory_space<hbm>> -> memref<32x1024xf32, #tpu.memory_space<hbm>>
    tpu.wait_dma2 semaphore(%arg10 : memref<!tpu.dma_semaphore, #tpu.memory_space<semaphore_mem>>) src(%arg8 : memref<32x1024xf32, #tpu.memory_space<vmem>>) dst(%dma_wait3A_92 : memref<32x1024xf32, #tpu.memory_space<hbm>>)
    return
  }
}

#map = affine_map<(d0, d1) -> (0, 0)>
#map1 = affine_map<(d0, d1) -> (0)>
module attributes {stable_mosaic.version = 14 : i64} {
  func.func @_dispatch_body(%arg0: i32, %arg1: i32, %arg2: memref<4096x1024xf32, #tpu.memory_space<hbm>>, %arg3: memref<8192xi32, #tpu.memory_space<hbm>>, %arg4: memref<12288x1024xf32, #tpu.memory_space<hbm>>, %arg5: memref<32xi32, #tpu.memory_space<vmem>>, %arg6: memref<32xi32, #tpu.memory_space<vmem>>, %arg7: memref<32xi32, #tpu.memory_space<vmem>>, %arg8: memref<32xi32, #tpu.memory_space<vmem>>, %arg9: memref<32x1024xf32, #tpu.memory_space<vmem>>, %arg10: memref<32x1024xf32, #tpu.memory_space<vmem>>, %arg11: memref<!tpu.dma_semaphore, #tpu.memory_space<semaphore_mem>>, %arg12: memref<!tpu.dma_semaphore, #tpu.memory_space<semaphore_mem>>, %arg13: memref<!tpu.dma_semaphore, #tpu.memory_space<semaphore_mem>>, %arg14: memref<!tpu.dma_semaphore, #tpu.memory_space<semaphore_mem>>) attributes {dimension_semantics = [#tpu.dimension_semantics<core_parallel>, #tpu.dimension_semantics<subcore_parallel>], iteration_bounds = array<i64: 2, 16>, scalar_prefetch = 0 : i64, scratch_operands = 10 : i64, tpu.core_type = #tpu.core_type<sc_vector_subcore>, window_params = [{transform_indices = #map}, {transform_indices = #map1}, {transform_indices = #map}]} {
    %mul3A = arith.constant 2 : i32
    %mul3A_0 = arith.muli %arg1, %mul3A : i32
    %add3A = arith.addi %mul3A_0, %arg0 : i32
    %mul3A_1 = arith.constant 256 : i32
    %mul3A_2 = arith.muli %add3A, %mul3A_1 : i32
    %scan3A = arith.constant 0 : i32
    %scan3A_3 = arith.constant 0 : i32
    %scan3A_4 = arith.constant 4 : i32
    %scan3A_5 = arith.addi %scan3A_3, %scan3A_4 : i32
    %scan3A_6 = arith.constant 1 : i32
    scf.for %scan3A_13 = %scan3A_3 to %scan3A_5 step %scan3A_6  : i32 {
      %gt3A = arith.constant 0 : i32
      %gt3A_14 = arith.cmpi sgt, %scan3A_13, %gt3A : i32
      %convert_element_type3A = arith.extui %gt3A_14 : i1 to i32
      %cond3A = arith.constant 0 : i32
      %cond3A_15 = arith.cmpi ne, %convert_element_type3A, %cond3A : i32
      scf.if %cond3A_15 {
        %dma_wait3A_88 = arith.constant 0 : i32
        %dma_wait3A_89 = arith.constant 0 : i32
        %dma_wait3A_90 = tpu.memref_slice %arg4[%dma_wait3A_88, %dma_wait3A_89] : memref<12288x1024xf32, #tpu.memory_space<hbm>> -> memref<12288x1024xf32, #tpu.memory_space<hbm>>
        tpu.wait_indirect_dma semaphore(%arg13 : memref<!tpu.dma_semaphore, #tpu.memory_space<semaphore_mem>>) src(%arg9 : memref<32x1024xf32, #tpu.memory_space<vmem>>) dst(%dma_wait3A_90 : memref<12288x1024xf32, #tpu.memory_space<hbm>>)
        %dma_wait3A_91 = arith.constant 0 : i32
        %dma_wait3A_92 = arith.constant 0 : i32
        %dma_wait3A_93 = tpu.memref_slice %arg4[%dma_wait3A_91, %dma_wait3A_92] : memref<12288x1024xf32, #tpu.memory_space<hbm>> -> memref<12288x1024xf32, #tpu.memory_space<hbm>>
        tpu.wait_indirect_dma semaphore(%arg14 : memref<!tpu.dma_semaphore, #tpu.memory_space<semaphore_mem>>) src(%arg10 : memref<32x1024xf32, #tpu.memory_space<vmem>>) dst(%dma_wait3A_93 : memref<12288x1024xf32, #tpu.memory_space<hbm>>)
      } else {
      }
      %mul3A_16 = arith.constant 2 : i32
      %mul3A_17 = arith.muli %scan3A_13, %mul3A_16 : i32
      %mul3A_18 = arith.constant 32 : i32
      %mul3A_19 = arith.muli %mul3A_17, %mul3A_18 : i32
      %add3A_20 = arith.addi %mul3A_2, %mul3A_19 : i32
      "tpu.region"() ({
        %run_scoped3A = tpu.sem_alloc : memref<!tpu.dma_semaphore, #tpu.memory_space<semaphore_mem>>
        %dma_start3A_88 = tpu.memref_slice %arg3[%add3A_20] : memref<8192xi32, #tpu.memory_space<hbm>> -> memref<32xi32, #tpu.memory_space<hbm>>
        %dma_start3A_89 = tpu.memref_slice %arg3[%add3A_20] : memref<8192xi32, #tpu.memory_space<hbm>> -> memref<32xi32, #tpu.memory_space<hbm>>
        tpu.enqueue_dma source(%dma_start3A_89 : memref<32xi32, #tpu.memory_space<hbm>>) target(%arg5 : memref<32xi32, #tpu.memory_space<vmem>>) target_semaphore(%run_scoped3A : memref<!tpu.dma_semaphore, #tpu.memory_space<semaphore_mem>>)
        %dma_wait3A_90 = tpu.memref_slice %arg3[%add3A_20] : memref<8192xi32, #tpu.memory_space<hbm>> -> memref<32xi32, #tpu.memory_space<hbm>>
        %dma_wait3A_91 = tpu.memref_slice %arg3[%add3A_20] : memref<8192xi32, #tpu.memory_space<hbm>> -> memref<32xi32, #tpu.memory_space<hbm>>
        tpu.wait_dma2 semaphore(%run_scoped3A : memref<!tpu.dma_semaphore, #tpu.memory_space<semaphore_mem>>) src(%dma_wait3A_91 : memref<32xi32, #tpu.memory_space<hbm>>) dst(%arg5 : memref<32xi32, #tpu.memory_space<vmem>>)
        tpu.yield
      }) : () -> ()
      %add3A_21 = arith.constant 0 : i32
      %add3A_22 = arith.addi %add3A_20, %add3A_21 : i32
      %iota3A = tpu.iota {dimensions = array<i32: 0>} : vector<16xi32>
      %add3A_23 = vector.broadcast %add3A_22 : i32 to vector<16xi32>
      %add3A_24 = arith.addi %add3A_23, %iota3A : vector<16xi32>
      %and3A = arith.constant 4095 : i32
      %and3A_25 = vector.broadcast %and3A : i32 to vector<16xi32>
      %and3A_26 = arith.andi %add3A_24, %and3A_25 : vector<16xi32>
      %swap3A = arith.constant 0 : index
      %swap3A_27 = tpu.vector_load %arg7[%swap3A] {strides = array<i32>} : memref<32xi32, #tpu.memory_space<vmem>>, vector<16xi32>,
      %swap3A_28 = vector.shape_cast %swap3A_27 : vector<16xi32> to vector<16xi32>
      %swap3A_29 = vector.shape_cast %and3A_26 : vector<16xi32> to vector<16xi32>
      tpu.vector_store %arg7[%swap3A], %swap3A_29 {strides = array<i32>} : memref<32xi32, #tpu.memory_space<vmem>>, vector<16xi32>,
      %add3A_30 = arith.constant 16 : i32
      %add3A_31 = arith.addi %add3A_20, %add3A_30 : i32
      %iota3A_32 = tpu.iota {dimensions = array<i32: 0>} : vector<16xi32>
      %add3A_33 = vector.broadcast %add3A_31 : i32 to vector<16xi32>
      %add3A_34 = arith.addi %add3A_33, %iota3A_32 : vector<16xi32>
      %and3A_35 = arith.constant 4095 : i32
      %and3A_36 = vector.broadcast %and3A_35 : i32 to vector<16xi32>
      %and3A_37 = arith.andi %add3A_34, %and3A_36 : vector<16xi32>
      %swap3A_38 = arith.constant 16 : index
      %swap3A_39 = tpu.vector_load %arg7[%swap3A_38] {strides = array<i32>} : memref<32xi32, #tpu.memory_space<vmem>>, vector<16xi32>,
      %swap3A_40 = vector.shape_cast %swap3A_39 : vector<16xi32> to vector<16xi32>
      %swap3A_41 = vector.shape_cast %and3A_37 : vector<16xi32> to vector<16xi32>
      tpu.vector_store %arg7[%swap3A_38], %swap3A_41 {strides = array<i32>} : memref<32xi32, #tpu.memory_space<vmem>>, vector<16xi32>,
      %dma_start3A = arith.constant 0 : i32
      %dma_start3A_42 = arith.constant 0 : i32
      %dma_start3A_43 = tpu.memref_slice %arg2[%dma_start3A, %dma_start3A_42] : memref<4096x1024xf32, #tpu.memory_space<hbm>> -> memref<4096x1024xf32, #tpu.memory_space<hbm>>
      tpu.enqueue_indirect_dma source(%dma_start3A_43 : memref<4096x1024xf32, #tpu.memory_space<hbm>>) target(%arg9 : memref<32x1024xf32, #tpu.memory_space<vmem>>) offsets(%arg7 : memref<32xi32, #tpu.memory_space<vmem>>) semaphore(%arg11 : memref<!tpu.dma_semaphore, #tpu.memory_space<semaphore_mem>>)
      %add3A_44 = arith.constant 1 : i32
      %add3A_45 = arith.addi %mul3A_17, %add3A_44 : i32
      %mul3A_46 = arith.constant 32 : i32
      %mul3A_47 = arith.muli %add3A_45, %mul3A_46 : i32
      %add3A_48 = arith.addi %mul3A_2, %mul3A_47 : i32
      "tpu.region"() ({
        %run_scoped3A = tpu.sem_alloc : memref<!tpu.dma_semaphore, #tpu.memory_space<semaphore_mem>>
        %dma_start3A_88 = tpu.memref_slice %arg3[%add3A_48] : memref<8192xi32, #tpu.memory_space<hbm>> -> memref<32xi32, #tpu.memory_space<hbm>>
        %dma_start3A_89 = tpu.memref_slice %arg3[%add3A_48] : memref<8192xi32, #tpu.memory_space<hbm>> -> memref<32xi32, #tpu.memory_space<hbm>>
        tpu.enqueue_dma source(%dma_start3A_89 : memref<32xi32, #tpu.memory_space<hbm>>) target(%arg6 : memref<32xi32, #tpu.memory_space<vmem>>) target_semaphore(%run_scoped3A : memref<!tpu.dma_semaphore, #tpu.memory_space<semaphore_mem>>)
        %dma_wait3A_90 = tpu.memref_slice %arg3[%add3A_48] : memref<8192xi32, #tpu.memory_space<hbm>> -> memref<32xi32, #tpu.memory_space<hbm>>
        %dma_wait3A_91 = tpu.memref_slice %arg3[%add3A_48] : memref<8192xi32, #tpu.memory_space<hbm>> -> memref<32xi32, #tpu.memory_space<hbm>>
        tpu.wait_dma2 semaphore(%run_scoped3A : memref<!tpu.dma_semaphore, #tpu.memory_space<semaphore_mem>>) src(%dma_wait3A_91 : memref<32xi32, #tpu.memory_space<hbm>>) dst(%arg6 : memref<32xi32, #tpu.memory_space<vmem>>)
        tpu.yield
      }) : () -> ()
      %add3A_49 = arith.constant 0 : i32
      %add3A_50 = arith.addi %add3A_48, %add3A_49 : i32
      %iota3A_51 = tpu.iota {dimensions = array<i32: 0>} : vector<16xi32>
      %add3A_52 = vector.broadcast %add3A_50 : i32 to vector<16xi32>
      %add3A_53 = arith.addi %add3A_52, %iota3A_51 : vector<16xi32>
      %and3A_54 = arith.constant 4095 : i32
      %and3A_55 = vector.broadcast %and3A_54 : i32 to vector<16xi32>
      %and3A_56 = arith.andi %add3A_53, %and3A_55 : vector<16xi32>
      %swap3A_57 = arith.constant 0 : index
      %swap3A_58 = tpu.vector_load %arg8[%swap3A_57] {strides = array<i32>} : memref<32xi32, #tpu.memory_space<vmem>>, vector<16xi32>,
      %swap3A_59 = vector.shape_cast %swap3A_58 : vector<16xi32> to vector<16xi32>
      %swap3A_60 = vector.shape_cast %and3A_56 : vector<16xi32> to vector<16xi32>
      tpu.vector_store %arg8[%swap3A_57], %swap3A_60 {strides = array<i32>} : memref<32xi32, #tpu.memory_space<vmem>>, vector<16xi32>,
      %add3A_61 = arith.constant 16 : i32
      %add3A_62 = arith.addi %add3A_48, %add3A_61 : i32
      %iota3A_63 = tpu.iota {dimensions = array<i32: 0>} : vector<16xi32>
      %add3A_64 = vector.broadcast %add3A_62 : i32 to vector<16xi32>
      %add3A_65 = arith.addi %add3A_64, %iota3A_63 : vector<16xi32>
      %and3A_66 = arith.constant 4095 : i32
      %and3A_67 = vector.broadcast %and3A_66 : i32 to vector<16xi32>
      %and3A_68 = arith.andi %add3A_65, %and3A_67 : vector<16xi32>
      %swap3A_69 = arith.constant 16 : index
      %swap3A_70 = tpu.vector_load %arg8[%swap3A_69] {strides = array<i32>} : memref<32xi32, #tpu.memory_space<vmem>>, vector<16xi32>,
      %swap3A_71 = vector.shape_cast %swap3A_70 : vector<16xi32> to vector<16xi32>
      %swap3A_72 = vector.shape_cast %and3A_68 : vector<16xi32> to vector<16xi32>
      tpu.vector_store %arg8[%swap3A_69], %swap3A_72 {strides = array<i32>} : memref<32xi32, #tpu.memory_space<vmem>>, vector<16xi32>,
      %dma_start3A_73 = arith.constant 0 : i32
      %dma_start3A_74 = arith.constant 0 : i32
      %dma_start3A_75 = tpu.memref_slice %arg2[%dma_start3A_73, %dma_start3A_74] : memref<4096x1024xf32, #tpu.memory_space<hbm>> -> memref<4096x1024xf32, #tpu.memory_space<hbm>>
      tpu.enqueue_indirect_dma source(%dma_start3A_75 : memref<4096x1024xf32, #tpu.memory_space<hbm>>) target(%arg10 : memref<32x1024xf32, #tpu.memory_space<vmem>>) offsets(%arg8 : memref<32xi32, #tpu.memory_space<vmem>>) semaphore(%arg12 : memref<!tpu.dma_semaphore, #tpu.memory_space<semaphore_mem>>)
      %dma_wait3A_76 = arith.constant 0 : i32
      %dma_wait3A_77 = arith.constant 0 : i32
      %dma_wait3A_78 = tpu.memref_slice %arg2[%dma_wait3A_76, %dma_wait3A_77] : memref<4096x1024xf32, #tpu.memory_space<hbm>> -> memref<4096x1024xf32, #tpu.memory_space<hbm>>
      tpu.wait_indirect_dma semaphore(%arg11 : memref<!tpu.dma_semaphore, #tpu.memory_space<semaphore_mem>>) src(%dma_wait3A_78 : memref<4096x1024xf32, #tpu.memory_space<hbm>>) dst(%arg9 : memref<32x1024xf32, #tpu.memory_space<vmem>>)
      %dma_start3A_79 = arith.constant 0 : i32
      %dma_start3A_80 = arith.constant 0 : i32
      %dma_start3A_81 = tpu.memref_slice %arg4[%dma_start3A_79, %dma_start3A_80] : memref<12288x1024xf32, #tpu.memory_space<hbm>> -> memref<12288x1024xf32, #tpu.memory_space<hbm>>
      tpu.enqueue_indirect_dma source(%arg9 : memref<32x1024xf32, #tpu.memory_space<vmem>>) target(%dma_start3A_81 : memref<12288x1024xf32, #tpu.memory_space<hbm>>) offsets(%arg5 : memref<32xi32, #tpu.memory_space<vmem>>) semaphore(%arg13 : memref<!tpu.dma_semaphore, #tpu.memory_space<semaphore_mem>>)
      %dma_wait3A_82 = arith.constant 0 : i32
      %dma_wait3A_83 = arith.constant 0 : i32
      %dma_wait3A_84 = tpu.memref_slice %arg2[%dma_wait3A_82, %dma_wait3A_83] : memref<4096x1024xf32, #tpu.memory_space<hbm>> -> memref<4096x1024xf32, #tpu.memory_space<hbm>>
      tpu.wait_indirect_dma semaphore(%arg12 : memref<!tpu.dma_semaphore, #tpu.memory_space<semaphore_mem>>) src(%dma_wait3A_84 : memref<4096x1024xf32, #tpu.memory_space<hbm>>) dst(%arg10 : memref<32x1024xf32, #tpu.memory_space<vmem>>)
      %dma_start3A_85 = arith.constant 0 : i32
      %dma_start3A_86 = arith.constant 0 : i32
      %dma_start3A_87 = tpu.memref_slice %arg4[%dma_start3A_85, %dma_start3A_86] : memref<12288x1024xf32, #tpu.memory_space<hbm>> -> memref<12288x1024xf32, #tpu.memory_space<hbm>>
      tpu.enqueue_indirect_dma source(%arg10 : memref<32x1024xf32, #tpu.memory_space<vmem>>) target(%dma_start3A_87 : memref<12288x1024xf32, #tpu.memory_space<hbm>>) offsets(%arg6 : memref<32xi32, #tpu.memory_space<vmem>>) semaphore(%arg14 : memref<!tpu.dma_semaphore, #tpu.memory_space<semaphore_mem>>)
    }
    %scan3A_7 = arith.constant 4 : i32
    %dma_wait3A = arith.constant 0 : i32
    %dma_wait3A_8 = arith.constant 0 : i32
    %dma_wait3A_9 = tpu.memref_slice %arg4[%dma_wait3A, %dma_wait3A_8] : memref<12288x1024xf32, #tpu.memory_space<hbm>> -> memref<12288x1024xf32, #tpu.memory_space<hbm>>
    tpu.wait_indirect_dma semaphore(%arg13 : memref<!tpu.dma_semaphore, #tpu.memory_space<semaphore_mem>>) src(%arg9 : memref<32x1024xf32, #tpu.memory_space<vmem>>) dst(%dma_wait3A_9 : memref<12288x1024xf32, #tpu.memory_space<hbm>>)
    %dma_wait3A_10 = arith.constant 0 : i32
    %dma_wait3A_11 = arith.constant 0 : i32
    %dma_wait3A_12 = tpu.memref_slice %arg4[%dma_wait3A_10, %dma_wait3A_11] : memref<12288x1024xf32, #tpu.memory_space<hbm>> -> memref<12288x1024xf32, #tpu.memory_space<hbm>>
    tpu.wait_indirect_dma semaphore(%arg14 : memref<!tpu.dma_semaphore, #tpu.memory_space<semaphore_mem>>) src(%arg10 : memref<32x1024xf32, #tpu.memory_space<vmem>>) dst(%dma_wait3A_12 : memref<12288x1024xf32, #tpu.memory_space<hbm>>)
    return
  }
}

module attributes {stable_mosaic.version = 14 : i64} {
  func.func @_matmul_body(%arg0: i32, %arg1: memref<48xi32, #tpu.memory_space<smem>>, %arg2: memref<1xi32, #tpu.memory_space<smem>>, %arg3: memref<256x1024xf32, #tpu.memory_space<vmem>>, %arg4: memref<1x1024x1024xf32, #tpu.memory_space<vmem>>, %arg5: memref<1x1x1024xf32, #tpu.memory_space<vmem>>, %arg6: memref<256x1024xf32, #tpu.memory_space<vmem>>) attributes {dimension_semantics = [#tpu.dimension_semantics<arbitrary>], iteration_bounds = array<i64: 48>, scalar_prefetch = 2 : i64, scratch_operands = 0 : i64, tpu.core_type = #tpu.core_type<tc>, window_params = [{transform_indices = @transform_0, window_bounds = array<i64: 256, 1024>}, {transform_indices = @transform_1, window_bounds = array<i64: 1, 1024, 1024>}, {transform_indices = @transform_2, window_bounds = array<i64: 1, 1, 1024>}, {transform_indices = @transform_3, window_bounds = array<i64: 256, 1024>}]} {
    %get3A = arith.constant 0 : index
    %get3A_0 = memref.load %arg2[%get3A] : memref<1xi32, #tpu.memory_space<smem>>
    %lt3A = arith.cmpi slt, %arg0, %get3A_0 : i32
    %convert_element_type3A = arith.extui %lt3A : i1 to i32
    %cond3A = arith.constant 0 : i32
    %cond3A_1 = arith.cmpi ne, %convert_element_type3A, %cond3A : i32
    scf.if %cond3A_1 {
      %get3A_2 = arith.constant 0 : index
      %get3A_3 = arith.constant 0 : index
      %get3A_4 = vector.load %arg3[%get3A_2, %get3A_3] : memref<256x1024xf32, #tpu.memory_space<vmem>>, vector<256x1024xf32>
      %get3A_5 = arith.constant 0 : index
      %get3A_6 = arith.constant 0 : index
      %get3A_7 = arith.constant 0 : index
      %get3A_8 = vector.load %arg4[%get3A_5, %get3A_6, %get3A_7] : memref<1x1024x1024xf32, #tpu.memory_space<vmem>>, vector<1x1024x1024xf32>
      %get3A_9 = vector.shape_cast %get3A_8 : vector<1x1024x1024xf32> to vector<1024x1024xf32>
      %dot_general3A = arith.constant dense<0.000000e+00> : vector<256x1024xf32>
      %dot_general3A_10 = tpu.matmul %get3A_4, %get3A_9, %dot_general3A {dimension_numbers = #tpu.dot_dimension_numbers<[1], [1], [0], [0], [0, 0, 1, 0], [], []>, transpose_lhs_hint = false} : vector<256x1024xf32>, vector<1024x1024xf32>, vector<256x1024xf32> -> vector<256x1024xf32>
      %get3A_11 = arith.constant 0 : index
      %get3A_12 = arith.constant 0 : index
      %get3A_13 = arith.constant 0 : index
      %get3A_14 = vector.load %arg5[%get3A_11, %get3A_12, %get3A_13] : memref<1x1x1024xf32, #tpu.memory_space<vmem>>, vector<1x1x1024xf32>
      %get3A_15 = vector.shape_cast %get3A_14 : vector<1x1x1024xf32> to vector<1x1024xf32>
      %add3A = vector.broadcast %get3A_15 : vector<1x1024xf32> to vector<256x1024xf32>
      %add3A_16 = arith.addf %dot_general3A_10, %add3A : vector<256x1024xf32>
      %swap3A = arith.constant 0 : index
      %swap3A_17 = arith.constant 0 : index
      %swap3A_18 = vector.load %arg6[%swap3A, %swap3A_17] : memref<256x1024xf32, #tpu.memory_space<vmem>>, vector<256x1024xf32>
      tpu.vector_store %arg6[%swap3A, %swap3A_17], %add3A_16 {strides = array<i32>} : memref<256x1024xf32, #tpu.memory_space<vmem>>, vector<256x1024xf32>,
    } else {
    }
    return
  }
  func.func @transform_0(%arg0: i32, %arg1: memref<48xi32, #tpu.memory_space<smem>>, %arg2: memref<1xi32, #tpu.memory_space<smem>>) -> (i32, i32) {
    %get3A = arith.constant 0 : index
    %get3A_0 = memref.load %arg2[%get3A] : memref<1xi32, #tpu.memory_space<smem>>
    %lt3A = arith.cmpi slt, %arg0, %get3A_0 : i32
    %jit3A = arith.constant 0 : i32
    %select_n3A = arith.select %lt3A, %arg0, %jit3A : i32
    %c0_i32 = arith.constant 0 : i32
    %c0_i32_1 = arith.constant 0 : i32
    return %select_n3A, %c0_i32 : i32, i32
  }
  func.func @transform_1(%arg0: i32, %arg1: memref<48xi32, #tpu.memory_space<smem>>, %arg2: memref<1xi32, #tpu.memory_space<smem>>) -> (i32, i32, i32) {
    %get3A = arith.index_cast %arg0 : i32 to index
    %get3A_0 = memref.load %arg1[%get3A] : memref<48xi32, #tpu.memory_space<smem>>
    %c0_i32 = arith.constant 0 : i32
    %c0_i32_1 = arith.constant 0 : i32
    %c0_i32_2 = arith.constant 0 : i32
    return %get3A_0, %c0_i32, %c0_i32_1 : i32, i32, i32
  }
  func.func @transform_2(%arg0: i32, %arg1: memref<48xi32, #tpu.memory_space<smem>>, %arg2: memref<1xi32, #tpu.memory_space<smem>>) -> (i32, i32, i32) {
    %get3A = arith.index_cast %arg0 : i32 to index
    %get3A_0 = memref.load %arg1[%get3A] : memref<48xi32, #tpu.memory_space<smem>>
    %c0_i32 = arith.constant 0 : i32
    %c0_i32_1 = arith.constant 0 : i32
    %c0_i32_2 = arith.constant 0 : i32
    return %get3A_0, %c0_i32, %c0_i32_1 : i32, i32, i32
  }
  func.func @transform_3(%arg0: i32, %arg1: memref<48xi32, #tpu.memory_space<smem>>, %arg2: memref<1xi32, #tpu.memory_space<smem>>) -> (i32, i32) {
    %get3A = arith.constant 0 : index
    %get3A_0 = memref.load %arg2[%get3A] : memref<1xi32, #tpu.memory_space<smem>>
    %lt3A = arith.cmpi slt, %arg0, %get3A_0 : i32
    %jit3A = arith.constant 47 : i32
    %select_n3A = arith.select %lt3A, %arg0, %jit3A : i32
    %c0_i32 = arith.constant 0 : i32
    %c0_i32_1 = arith.constant 0 : i32
    return %select_n3A, %c0_i32 : i32, i32
  }
}

module attributes {stable_mosaic.version = 14 : i64} {
  func.func @_routing_body(%arg0: memref<1x8192xi32, #tpu.memory_space<vmem>>, %arg1: memref<1x8192xi32, #tpu.memory_space<vmem>>, %arg2: memref<1x48xi32, #tpu.memory_space<vmem>>, %arg3: memref<1x1xi32, #tpu.memory_space<vmem>>) attributes {dimension_semantics = [], scalar_prefetch = 0 : i64, scratch_operands = 0 : i64, tpu.core_type = #tpu.core_type<tc>} {
    %get3A = arith.constant 0 : index
    %get3A_0 = arith.constant 0 : index
    %get3A_1 = vector.load %arg0[%get3A, %get3A_0] : memref<1x8192xi32, #tpu.memory_space<vmem>>, vector<1x8192xi32>
    %iota3A = tpu.iota {dimensions = array<i32: 0>} : vector<16x8192xi32>
    %broadcast_in_dim3A = vector.shape_cast %get3A_1 : vector<1x8192xi32> to vector<1x8192xi32>
    %broadcast_in_dim3A_2 = vector.broadcast %broadcast_in_dim3A : vector<1x8192xi32> to vector<16x8192xi32>
    %eq3A = arith.cmpi eq, %broadcast_in_dim3A_2, %iota3A : vector<16x8192xi32>
    %convert_element_type3A = arith.extui %eq3A : vector<16x8192xi1> to vector<16x8192xi32>
    %broadcast_in_dim3A_3 = arith.constant 0 : i32
    %broadcast_in_dim3A_4 = vector.broadcast %broadcast_in_dim3A_3 : i32 to vector<16x1xi32>
    %slice3A = vector.extract_strided_slice %convert_element_type3A {offsets = [0, 0], sizes = [16, 8191], strides = [1, 1]} : vector<16x8192xi32> to vector<16x8191xi32>
    %concatenate3A = tpu.concatenate %broadcast_in_dim3A_4, %slice3A in 1 : vector<16x1xi32>, vector<16x8191xi32> -> vector<16x8192xi32>
    %add3A = arith.addi %convert_element_type3A, %concatenate3A : vector<16x8192xi32>
    %broadcast_in_dim3A_5 = arith.constant 0 : i32
    %broadcast_in_dim3A_6 = vector.broadcast %broadcast_in_dim3A_5 : i32 to vector<16x2xi32>
    %slice3A_7 = vector.extract_strided_slice %add3A {offsets = [0, 0], sizes = [16, 8190], strides = [1, 1]} : vector<16x8192xi32> to vector<16x8190xi32>
    %concatenate3A_8 = tpu.concatenate %broadcast_in_dim3A_6, %slice3A_7 in 1 : vector<16x2xi32>, vector<16x8190xi32> -> vector<16x8192xi32>
    %add3A_9 = arith.addi %add3A, %concatenate3A_8 : vector<16x8192xi32>
    %broadcast_in_dim3A_10 = arith.constant 0 : i32
    %broadcast_in_dim3A_11 = vector.broadcast %broadcast_in_dim3A_10 : i32 to vector<16x4xi32>
    %slice3A_12 = vector.extract_strided_slice %add3A_9 {offsets = [0, 0], sizes = [16, 8188], strides = [1, 1]} : vector<16x8192xi32> to vector<16x8188xi32>
    %concatenate3A_13 = tpu.concatenate %broadcast_in_dim3A_11, %slice3A_12 in 1 : vector<16x4xi32>, vector<16x8188xi32> -> vector<16x8192xi32>
    %add3A_14 = arith.addi %add3A_9, %concatenate3A_13 : vector<16x8192xi32>
    %broadcast_in_dim3A_15 = arith.constant 0 : i32
    %broadcast_in_dim3A_16 = vector.broadcast %broadcast_in_dim3A_15 : i32 to vector<16x8xi32>
    %slice3A_17 = vector.extract_strided_slice %add3A_14 {offsets = [0, 0], sizes = [16, 8184], strides = [1, 1]} : vector<16x8192xi32> to vector<16x8184xi32>
    %concatenate3A_18 = tpu.concatenate %broadcast_in_dim3A_16, %slice3A_17 in 1 : vector<16x8xi32>, vector<16x8184xi32> -> vector<16x8192xi32>
    %add3A_19 = arith.addi %add3A_14, %concatenate3A_18 : vector<16x8192xi32>
    %broadcast_in_dim3A_20 = arith.constant 0 : i32
    %broadcast_in_dim3A_21 = vector.broadcast %broadcast_in_dim3A_20 : i32 to vector<16x16xi32>
    %slice3A_22 = vector.extract_strided_slice %add3A_19 {offsets = [0, 0], sizes = [16, 8176], strides = [1, 1]} : vector<16x8192xi32> to vector<16x8176xi32>
    %concatenate3A_23 = tpu.concatenate %broadcast_in_dim3A_21, %slice3A_22 in 1 : vector<16x16xi32>, vector<16x8176xi32> -> vector<16x8192xi32>
    %add3A_24 = arith.addi %add3A_19, %concatenate3A_23 : vector<16x8192xi32>
    %broadcast_in_dim3A_25 = arith.constant 0 : i32
    %broadcast_in_dim3A_26 = vector.broadcast %broadcast_in_dim3A_25 : i32 to vector<16x32xi32>
    %slice3A_27 = vector.extract_strided_slice %add3A_24 {offsets = [0, 0], sizes = [16, 8160], strides = [1, 1]} : vector<16x8192xi32> to vector<16x8160xi32>
    %concatenate3A_28 = tpu.concatenate %broadcast_in_dim3A_26, %slice3A_27 in 1 : vector<16x32xi32>, vector<16x8160xi32> -> vector<16x8192xi32>
    %add3A_29 = arith.addi %add3A_24, %concatenate3A_28 : vector<16x8192xi32>
    %broadcast_in_dim3A_30 = arith.constant 0 : i32
    %broadcast_in_dim3A_31 = vector.broadcast %broadcast_in_dim3A_30 : i32 to vector<16x64xi32>
    %slice3A_32 = vector.extract_strided_slice %add3A_29 {offsets = [0, 0], sizes = [16, 8128], strides = [1, 1]} : vector<16x8192xi32> to vector<16x8128xi32>
    %concatenate3A_33 = tpu.concatenate %broadcast_in_dim3A_31, %slice3A_32 in 1 : vector<16x64xi32>, vector<16x8128xi32> -> vector<16x8192xi32>
    %add3A_34 = arith.addi %add3A_29, %concatenate3A_33 : vector<16x8192xi32>
    %broadcast_in_dim3A_35 = arith.constant 0 : i32
    %broadcast_in_dim3A_36 = vector.broadcast %broadcast_in_dim3A_35 : i32 to vector<16x128xi32>
    %slice3A_37 = vector.extract_strided_slice %add3A_34 {offsets = [0, 0], sizes = [16, 8064], strides = [1, 1]} : vector<16x8192xi32> to vector<16x8064xi32>
    %concatenate3A_38 = tpu.concatenate %broadcast_in_dim3A_36, %slice3A_37 in 1 : vector<16x128xi32>, vector<16x8064xi32> -> vector<16x8192xi32>
    %add3A_39 = arith.addi %add3A_34, %concatenate3A_38 : vector<16x8192xi32>
    %broadcast_in_dim3A_40 = arith.constant 0 : i32
    %broadcast_in_dim3A_41 = vector.broadcast %broadcast_in_dim3A_40 : i32 to vector<16x256xi32>
    %slice3A_42 = vector.extract_strided_slice %add3A_39 {offsets = [0, 0], sizes = [16, 7936], strides = [1, 1]} : vector<16x8192xi32> to vector<16x7936xi32>
    %concatenate3A_43 = tpu.concatenate %broadcast_in_dim3A_41, %slice3A_42 in 1 : vector<16x256xi32>, vector<16x7936xi32> -> vector<16x8192xi32>
    %add3A_44 = arith.addi %add3A_39, %concatenate3A_43 : vector<16x8192xi32>
    %broadcast_in_dim3A_45 = arith.constant 0 : i32
    %broadcast_in_dim3A_46 = vector.broadcast %broadcast_in_dim3A_45 : i32 to vector<16x512xi32>
    %slice3A_47 = vector.extract_strided_slice %add3A_44 {offsets = [0, 0], sizes = [16, 7680], strides = [1, 1]} : vector<16x8192xi32> to vector<16x7680xi32>
    %concatenate3A_48 = tpu.concatenate %broadcast_in_dim3A_46, %slice3A_47 in 1 : vector<16x512xi32>, vector<16x7680xi32> -> vector<16x8192xi32>
    %add3A_49 = arith.addi %add3A_44, %concatenate3A_48 : vector<16x8192xi32>
    %broadcast_in_dim3A_50 = arith.constant 0 : i32
    %broadcast_in_dim3A_51 = vector.broadcast %broadcast_in_dim3A_50 : i32 to vector<16x1024xi32>
    %slice3A_52 = vector.extract_strided_slice %add3A_49 {offsets = [0, 0], sizes = [16, 7168], strides = [1, 1]} : vector<16x8192xi32> to vector<16x7168xi32>
    %concatenate3A_53 = tpu.concatenate %broadcast_in_dim3A_51, %slice3A_52 in 1 : vector<16x1024xi32>, vector<16x7168xi32> -> vector<16x8192xi32>
    %add3A_54 = arith.addi %add3A_49, %concatenate3A_53 : vector<16x8192xi32>
    %broadcast_in_dim3A_55 = arith.constant 0 : i32
    %broadcast_in_dim3A_56 = vector.broadcast %broadcast_in_dim3A_55 : i32 to vector<16x2048xi32>
    %slice3A_57 = vector.extract_strided_slice %add3A_54 {offsets = [0, 0], sizes = [16, 6144], strides = [1, 1]} : vector<16x8192xi32> to vector<16x6144xi32>
    %concatenate3A_58 = tpu.concatenate %broadcast_in_dim3A_56, %slice3A_57 in 1 : vector<16x2048xi32>, vector<16x6144xi32> -> vector<16x8192xi32>
    %add3A_59 = arith.addi %add3A_54, %concatenate3A_58 : vector<16x8192xi32>
    %broadcast_in_dim3A_60 = arith.constant 0 : i32
    %broadcast_in_dim3A_61 = vector.broadcast %broadcast_in_dim3A_60 : i32 to vector<16x4096xi32>
    %slice3A_62 = vector.extract_strided_slice %add3A_59 {offsets = [0, 0], sizes = [16, 4096], strides = [1, 1]} : vector<16x8192xi32> to vector<16x4096xi32>
    %concatenate3A_63 = tpu.concatenate %broadcast_in_dim3A_61, %slice3A_62 in 1 : vector<16x4096xi32>, vector<16x4096xi32> -> vector<16x8192xi32>
    %add3A_64 = arith.addi %add3A_59, %concatenate3A_63 : vector<16x8192xi32>
    %eq3A_65 = arith.constant 1 : i32
    %eq3A_66 = vector.broadcast %eq3A_65 : i32 to vector<16x8192xi32>
    %eq3A_67 = arith.cmpi eq, %convert_element_type3A, %eq3A_66 : vector<16x8192xi32>
    %sub3A = arith.constant 1 : i32
    %sub3A_68 = vector.broadcast %sub3A : i32 to vector<16x8192xi32>
    %sub3A_69 = arith.subi %add3A_64, %sub3A_68 : vector<16x8192xi32>
    %jit3A = arith.constant 0 : i32
    %broadcast_in_dim3A_70 = vector.broadcast %jit3A : i32 to vector<16x8192xi32>
    %select_n3A = arith.select %eq3A_67, %sub3A_69, %broadcast_in_dim3A_70 : vector<16x8192xi1>, vector<16x8192xi32>
    %reduce_sum3A = arith.constant dense<0> : vector<8192xi32>
    %reduce_sum3A_71 = vector.multi_reduction <add>, %select_n3A, %reduce_sum3A [0] : vector<16x8192xi32> to vector<8192xi32>
    %broadcast_in_dim3A_72 = vector.shape_cast %reduce_sum3A_71 : vector<8192xi32> to vector<1x8192xi32>
    %slice3A_73 = vector.extract_strided_slice %add3A_64 {offsets = [0, 8191], sizes = [16, 1], strides = [1, 1]} : vector<16x8192xi32> to vector<16x1xi32>
    %add3A_74 = arith.constant 255 : i32
    %add3A_75 = vector.broadcast %add3A_74 : i32 to vector<16x1xi32>
    %add3A_76 = arith.addi %slice3A_73, %add3A_75 : vector<16x1xi32>
    %jit3A_77 = arith.constant 256 : i32
    %div3A = vector.broadcast %jit3A_77 : i32 to vector<16x1xi32>
    %div3A_78 = arith.divsi %add3A_76, %div3A : vector<16x1xi32>
    %sign3A = arith.constant 0 : i32
    %sign3A_79 = vector.broadcast %sign3A : i32 to vector<16x1xi32>
    %sign3A_80 = arith.cmpi sgt, %add3A_76, %sign3A_79 : vector<16x1xi32>
    %sign3A_81 = arith.extui %sign3A_80 : vector<16x1xi1> to vector<16x1xi32>
    %sign3A_82 = arith.constant 0 : i32
    %sign3A_83 = vector.broadcast %sign3A_82 : i32 to vector<16x1xi32>
    %sign3A_84 = arith.cmpi slt, %add3A_76, %sign3A_83 : vector<16x1xi32>
    %sign3A_85 = arith.extui %sign3A_84 : vector<16x1xi1> to vector<16x1xi32>
    %sign3A_86 = arith.subi %sign3A_81, %sign3A_85 : vector<16x1xi32>
    %sign3A_87 = arith.constant 0 : i32
    %sign3A_88 = arith.cmpi sgt, %jit3A_77, %sign3A_87 : i32
    %sign3A_89 = arith.extui %sign3A_88 : i1 to i32
    %sign3A_90 = arith.constant 0 : i32
    %sign3A_91 = arith.cmpi slt, %jit3A_77, %sign3A_90 : i32
    %sign3A_92 = arith.extui %sign3A_91 : i1 to i32
    %sign3A_93 = arith.subi %sign3A_89, %sign3A_92 : i32
    %ne3A = vector.broadcast %sign3A_93 : i32 to vector<16x1xi32>
    %ne3A_94 = arith.cmpi ne, %sign3A_86, %ne3A : vector<16x1xi32>
    %rem3A = vector.broadcast %jit3A_77 : i32 to vector<16x1xi32>
    %rem3A_95 = arith.remsi %add3A_76, %rem3A : vector<16x1xi32>
    %ne3A_96 = arith.constant 0 : i32
    %ne3A_97 = vector.broadcast %ne3A_96 : i32 to vector<16x1xi32>
    %ne3A_98 = arith.cmpi ne, %rem3A_95, %ne3A_97 : vector<16x1xi32>
    %and3A = arith.andi %ne3A_94, %ne3A_98 : vector<16x1xi1>
    %sub3A_99 = arith.constant 1 : i32
    %sub3A_100 = vector.broadcast %sub3A_99 : i32 to vector<16x1xi32>
    %sub3A_101 = arith.subi %div3A_78, %sub3A_100 : vector<16x1xi32>
    %select_n3A_102 = arith.select %and3A, %sub3A_101, %div3A_78 : vector<16x1xi1>, vector<16x1xi32>
    %broadcast_in_dim3A_103 = arith.constant 0 : i32
    %broadcast_in_dim3A_104 = vector.broadcast %broadcast_in_dim3A_103 : i32 to vector<1x1xi32>
    %slice3A_105 = vector.extract_strided_slice %select_n3A_102 {offsets = [0, 0], sizes = [15, 1], strides = [1, 1]} : vector<16x1xi32> to vector<15x1xi32>
    %concatenate3A_106 = tpu.concatenate %broadcast_in_dim3A_104, %slice3A_105 in 0 : vector<1x1xi32>, vector<15x1xi32> -> vector<16x1xi32>
    %add3A_107 = arith.addi %select_n3A_102, %concatenate3A_106 : vector<16x1xi32>
    %broadcast_in_dim3A_108 = arith.constant 0 : i32
    %broadcast_in_dim3A_109 = vector.broadcast %broadcast_in_dim3A_108 : i32 to vector<2x1xi32>
    %slice3A_110 = vector.extract_strided_slice %add3A_107 {offsets = [0, 0], sizes = [14, 1], strides = [1, 1]} : vector<16x1xi32> to vector<14x1xi32>
    %concatenate3A_111 = tpu.concatenate %broadcast_in_dim3A_109, %slice3A_110 in 0 : vector<2x1xi32>, vector<14x1xi32> -> vector<16x1xi32>
    %add3A_112 = arith.addi %add3A_107, %concatenate3A_111 : vector<16x1xi32>
    %broadcast_in_dim3A_113 = arith.constant 0 : i32
    %broadcast_in_dim3A_114 = vector.broadcast %broadcast_in_dim3A_113 : i32 to vector<4x1xi32>
    %slice3A_115 = vector.extract_strided_slice %add3A_112 {offsets = [0, 0], sizes = [12, 1], strides = [1, 1]} : vector<16x1xi32> to vector<12x1xi32>
    %concatenate3A_116 = tpu.concatenate %broadcast_in_dim3A_114, %slice3A_115 in 0 : vector<4x1xi32>, vector<12x1xi32> -> vector<16x1xi32>
    %add3A_117 = arith.addi %add3A_112, %concatenate3A_116 : vector<16x1xi32>
    %broadcast_in_dim3A_118 = arith.constant 0 : i32
    %broadcast_in_dim3A_119 = vector.broadcast %broadcast_in_dim3A_118 : i32 to vector<8x1xi32>
    %slice3A_120 = vector.extract_strided_slice %add3A_117 {offsets = [0, 0], sizes = [8, 1], strides = [1, 1]} : vector<16x1xi32> to vector<8x1xi32>
    %concatenate3A_121 = tpu.concatenate %broadcast_in_dim3A_119, %slice3A_120 in 0 : vector<8x1xi32>, vector<8x1xi32> -> vector<16x1xi32>
    %add3A_122 = arith.addi %add3A_117, %concatenate3A_121 : vector<16x1xi32>
    %sub3A_123 = arith.subi %add3A_122, %select_n3A_102 : vector<16x1xi32>
    %slice3A_124 = vector.extract_strided_slice %add3A_122 {offsets = [15, 0], sizes = [1, 1], strides = [1, 1]} : vector<16x1xi32> to vector<1x1xi32>
    %swap3A = arith.constant 0 : index
    %swap3A_125 = arith.constant 0 : index
    %swap3A_126 = vector.load %arg3[%swap3A, %swap3A_125] : memref<1x1xi32, #tpu.memory_space<vmem>>, vector<1x1xi32>
    tpu.vector_store %arg3[%swap3A, %swap3A_125], %slice3A_124 {strides = array<i32>} : memref<1x1xi32, #tpu.memory_space<vmem>>, vector<1x1xi32>,
    %eq3A_127 = arith.constant 1 : i32
    %eq3A_128 = vector.broadcast %eq3A_127 : i32 to vector<16x8192xi32>
    %eq3A_129 = arith.cmpi eq, %convert_element_type3A, %eq3A_128 : vector<16x8192xi32>
    %mul3A = arith.constant 256 : i32
    %mul3A_130 = vector.broadcast %mul3A : i32 to vector<16x1xi32>
    %mul3A_131 = arith.muli %sub3A_123, %mul3A_130 : vector<16x1xi32>
    %broadcast_in_dim3A_132 = vector.shape_cast %mul3A_131 : vector<16x1xi32> to vector<16x1xi32>
    %broadcast_in_dim3A_133 = vector.broadcast %broadcast_in_dim3A_132 : vector<16x1xi32> to vector<16x8192xi32>
    %jit3A_134 = arith.constant 0 : i32
    %broadcast_in_dim3A_135 = vector.broadcast %jit3A_134 : i32 to vector<16x8192xi32>
    %select_n3A_136 = arith.select %eq3A_129, %broadcast_in_dim3A_133, %broadcast_in_dim3A_135 : vector<16x8192xi1>, vector<16x8192xi32>
    %reduce_sum3A_137 = arith.constant dense<0> : vector<8192xi32>
    %reduce_sum3A_138 = vector.multi_reduction <add>, %select_n3A_136, %reduce_sum3A_137 [0] : vector<16x8192xi32> to vector<8192xi32>
    %broadcast_in_dim3A_139 = vector.shape_cast %reduce_sum3A_138 : vector<8192xi32> to vector<1x8192xi32>
    %add3A_140 = arith.addi %broadcast_in_dim3A_139, %broadcast_in_dim3A_72 : vector<1x8192xi32>
    %swap3A_141 = arith.constant 0 : index
    %swap3A_142 = arith.constant 0 : index
    %swap3A_143 = vector.load %arg1[%swap3A_141, %swap3A_142] : memref<1x8192xi32, #tpu.memory_space<vmem>>, vector<1x8192xi32>
    tpu.vector_store %arg1[%swap3A_141, %swap3A_142], %add3A_140 {strides = array<i32>} : memref<1x8192xi32, #tpu.memory_space<vmem>>, vector<1x8192xi32>,
    %iota3A_144 = tpu.iota {dimensions = array<i32: 1>} : vector<16x48xi32>
    %broadcast_in_dim3A_145 = vector.shape_cast %sub3A_123 : vector<16x1xi32> to vector<16x1xi32>
    %broadcast_in_dim3A_146 = vector.broadcast %broadcast_in_dim3A_145 : vector<16x1xi32> to vector<16x48xi32>
    %ge3A = arith.cmpi sge, %iota3A_144, %broadcast_in_dim3A_146 : vector<16x48xi32>
    %convert_element_type3A_147 = arith.extui %ge3A : vector<16x48xi1> to vector<16x48xi32>
    %reduce_sum3A_148 = arith.constant dense<0> : vector<48xi32>
    %reduce_sum3A_149 = vector.multi_reduction <add>, %convert_element_type3A_147, %reduce_sum3A_148 [0] : vector<16x48xi32> to vector<48xi32>
    %broadcast_in_dim3A_150 = vector.shape_cast %reduce_sum3A_149 : vector<48xi32> to vector<1x48xi32>
    %sub3A_151 = arith.constant 1 : i32
    %sub3A_152 = vector.broadcast %sub3A_151 : i32 to vector<1x48xi32>
    %sub3A_153 = arith.subi %broadcast_in_dim3A_150, %sub3A_152 : vector<1x48xi32>
    %jit3A_154 = arith.constant 0 : i32
    %jit3A_155 = arith.constant 15 : i32
    %max3A = vector.broadcast %jit3A_154 : i32 to vector<1x48xi32>
    %max3A_156 = arith.maxsi %max3A, %sub3A_153 : vector<1x48xi32>
    %min3A = vector.broadcast %jit3A_155 : i32 to vector<1x48xi32>
    %min3A_157 = arith.minsi %min3A, %max3A_156 : vector<1x48xi32>
    %swap3A_158 = arith.constant 0 : index
    %swap3A_159 = arith.constant 0 : index
    %swap3A_160 = vector.load %arg2[%swap3A_158, %swap3A_159] : memref<1x48xi32, #tpu.memory_space<vmem>>, vector<1x48xi32>
    tpu.vector_store %arg2[%swap3A_158, %swap3A_159], %min3A_157 {strides = array<i32>} : memref<1x48xi32, #tpu.memory_space<vmem>>, vector<1x48xi32>,
    return
  }
}

</mosaic_0001>

<sc_bundles>
// kernel: kernel.6.cloned.1.call-start
scs
__scs_entry_jumppad:
0x0: {  	(pc) =	sbr.rel $0x88, $3  }
0x1: {  	(tag) =	ssettag $0x0;
	lr =	simm.s32 $0x1  }
0x2: {  	[smem:$0x3F9D] =	sst lr;
	_ =	strace $0xD0000000  }
0x3: {  	_ = 	snop  }
0x4: {  	_ = 	snop  }
0x5: {  	_ = 	snop  }
0x6: {  	_ = 	snop  }
0x7: {  	_ = 	snop  }
__scs_overlays_trampoline_lowered:
0x8: {  	[smem:$0x3FAC] =	sst s0  }
0x9: {  	[smem:$0x3FAD] =	sst s1  }
0xa: {  	[smem:$0x3FAE] =	sst s2  }
0xb: {  	[smem:$0x3FAF] =	sst s3  }
0xc: {  	[smem:$0x3FB0] =	sst s4  }
0xd: {  	[smem:$0x3FB1] =	sst s5  }
0xe: {  	[smem:$0x3FB2] =	sst s6  }
0xf: {  	[smem:$0x3FB3] =	sst s7  }
0x10: {  	[smem:$0x3FB4] =	sst s8  }
0x11: {  	[smem:$0x3FB5] =	sst s9;
	s0 =	simm.s32 @!p0 $0x0  }
0x12: {  	s1 =	sld [smem:$0x3F9B];
	s0 =	simm.s32 @p0 $0x1  }
0x13: {  	[smem:$0x3FB6] =	sst s0;
	s0 =	simm.s32 @!p1 $0x0  }
0x14: {  	s2 =	sld [smem:$0x3F9A];
	s0 =	simm.s32 @p1 $0x1  }
0x15: {  	[smem:$0x3FB7] =	sst s0;
	s0 =	simm.s32 @!p2 $0x0  }
0x16: {  	s3 =	sld [smem:$0x3FDB];
	s0 =	simm.s32 @p2 $0x1  }
0x17: {  	s4 =	simm.s32 $0x1BF5;
	[smem:$0x3FB9] =	sst s0  }
0x18: {  	s0 =	sld [smem:$0x3F9C];
	_ =	swait.ge [sflag:s4], $0x0  }
0x19: {  	s7 =	sld [smem:$0x3F9D]  }
0x1a: {  	s8 =	sadd.s32 $0xFFFFE003, lr  }
0x1b: {  	s9 =	sadd.s32 $0xFFFFFEF7, lr;
	s5 =	simm.s32 $0xFFFFFFFF;
	p2 =	slt.u32 s8, $0xFFFFF086  }
0x1c: {  	p1 =	slt.u32 s9, $0xF7A;
	s5 =	simm.s32 @!p2 $0x0  }
0x1d: {  	s5 =	simm.s32 @p1 $0x1;
	p0 =	seq.s32 s7, s2  }
0x1e: {  	s7 =	smul.u32 @!p0 $0xF7A, s2;
	p2 =	seq.s32 @!p0 s5, $0x0  }
0x1f: {  	s9 =	smul.u32 $0xF7A, s1;
	s8 =	simm.s32 @!p0 $0x1BF5;
	p2 =	por !p2, p0  }
0x20: {  	[sflag:s8] =	ssyncset.s32 @!p0 $0xFFFFF086;
	s6 =	sadd.s32 @!p0 s3, s7;
	s7 =	simm.s32 @!p0 $0x108  }
0x21: {  	s3 =	sadd.s32 s3, s9;
	s6 =	sadd.s32 @!p0 $0x88, s6;
	s7 =	simm.s32 @p2 $0x1082  }
0x22: {  	[simem:s7], [sflag:s8] =	dma.local @!p0 [hbm:s6], $0xF7A  }
0x23: {  	s9 =	sor.u32 $0xD0000000, s2;
	s6 =	simm.s32 $0x108;
	_ =	swait.ge @!p0 [sflag:s8], $0x0  }
0x24: {  	s3 =	sadd.s32 $0x88, s3;
	s6 =	simm.s32 @!p1 $0x1082;
	[sflag:s4] =	ssyncset.s32 $0xFFFFF086  }
0x25: {  	[simem:s6], [sflag:s4] =	dma.local [hbm:s3], $0xF7A  }
0x26: {  	[smem:$0x3F9D] =	sst s1;
	(tag) =	ssettag s2;
	_ =	strace s9  }
0x27: {  	s1 =	sld [smem:$0x3FAD]  }
0x28: {  	s2 =	sld [smem:$0x3FAE]  }
0x29: {  	s4 =	sld [smem:$0x3FB0]  }
0x2a: {  	p0 =	seq.s32 s5, $0x0;
	s5 =	sld [smem:$0x3FB1]  }
0x2b: {  	s6 =	sld [smem:$0x3FB2]  }
0x2c: {  	s7 =	sld [smem:$0x3FB3]  }
0x2d: {  	s3 =	simm.s32 $0x108;
	s8 =	sld [smem:$0x3FB4]  }
0x2e: {  	s3 =	simm.s32 @!p0 $0x1082;
	s9 =	sld [smem:$0x3FB5]  }
0x2f: {  	lr =	sadd.s32 s0, s3;
	s0 =	sld [smem:$0x3FAC]  }
0x30: {  	s3 =	sld [smem:$0x3FAF]  }
0x31: {  	[smem:$0x3FB8] =	sst s10  }
0x32: {  	s10 =	sld [smem:$0x3FB6];
	_ =	sdelay $0x3  }
0x33: {  	p0 =	seq.s32 s10, $0x1;
	s10 =	sld [smem:$0x3FB8];
	_ =	sdelay $0x3  }
0x34: {  	[smem:$0x3FB8] =	sst s10  }
0x35: {  	s10 =	sld [smem:$0x3FB7];
	_ =	sdelay $0x3  }
0x36: {  	p1 =	seq.s32 s10, $0x1;
	s10 =	sld [smem:$0x3FB8];
	_ =	sdelay $0x3  }
0x37: {  	[smem:$0x3FB8] =	sst s10  }
0x38: {  	s10 =	sld [smem:$0x3FB9]  }
0x39: {  	_ = 	snop;
	(pc) =	sbr.ind lr, $3  }
0x3a: {  	_ = 	snop  }
0x3b: {  	_ = 	snop  }
0x3c: {  	p2 =	seq.s32 s10, $0x1;
	s10 =	sld [smem:$0x3FB8]  }
0x3d: {  	_ =	shalt  }
0x3e: {  	_ =	shalt  }
0x3f: {  	_ =	shalt  }
0x40: {  	_ =	shalt  }
0x41: {  	_ =	shalt  }
0x42: {  	_ =	shalt  }
0x43: {  	_ =	shalt  }
0x44: {  	_ =	shalt  }
0x45: {  	_ =	shalt  }
0x46: {  	_ =	shalt  }
0x47: {  	_ =	shalt  }
0x48: {  	_ =	shalt  }
0x49: {  	_ =	shalt  }
0x4a: {  	_ =	shalt  }
0x4b: {  	_ =	shalt  }
0x4c: {  	_ =	shalt  }
0x4d: {  	_ =	shalt  }
0x4e: {  	_ =	shalt  }
0x4f: {  	_ =	shalt  }
0x50: {  	_ =	shalt  }
0x51: {  	_ =	shalt  }
0x52: {  	_ =	shalt  }
0x53: {  	_ =	shalt  }
0x54: {  	_ =	shalt  }
0x55: {  	_ =	shalt  }
0x56: {  	_ =	shalt  }
0x57: {  	_ =	shalt  }
0x58: {  	_ =	shalt  }
0x59: {  	_ =	shalt  }
0x5a: {  	_ =	shalt  }
0x5b: {  	_ =	shalt  }
0x5c: {  	_ =	shalt  }
0x5d: {  	_ =	shalt  }
0x5e: {  	_ =	shalt  }
0x5f: {  	_ =	shalt  }
0x60: {  	_ =	shalt  }
0x61: {  	_ =	shalt  }
0x62: {  	_ =	shalt  }
0x63: {  	_ =	shalt  }
0x64: {  	_ =	shalt  }
0x65: {  	_ =	shalt  }
0x66: {  	_ =	shalt  }
0x67: {  	_ =	shalt  }
0x68: {  	_ =	shalt  }
0x69: {  	_ =	shalt  }
0x6a: {  	_ =	shalt  }
0x6b: {  	_ =	shalt  }
0x6c: {  	_ =	shalt  }
0x6d: {  	_ =	shalt  }
0x6e: {  	_ =	shalt  }
0x6f: {  	_ =	shalt  }
0x70: {  	_ =	shalt  }
0x71: {  	_ =	shalt  }
0x72: {  	_ =	shalt  }
0x73: {  	_ =	shalt  }
0x74: {  	_ =	shalt  }
0x75: {  	_ =	shalt  }
0x76: {  	_ =	shalt  }
0x77: {  	_ =	shalt  }
0x78: {  	_ =	shalt  }
0x79: {  	_ =	shalt  }
0x7a: {  	_ =	shalt  }
0x7b: {  	_ =	shalt  }
0x7c: {  	_ =	shalt  }
0x7d: {  	_ =	shalt  }
0x7e: {  	_ =	shalt  }
0x7f: {  	_ =	shalt  }
0x80: {  	_ =	shalt  }
0x81: {  	_ =	shalt  }
0x82: {  	_ =	shalt  }
0x83: {  	_ =	shalt  }
0x84: {  	_ =	shalt  }
0x85: {  	_ =	shalt  }
0x86: {  	_ =	shalt  }
0x87: {  	_ =	shalt  }
.Lfunc_end0:
.L_simem_size_0:
called_computation_lowered:
.L_overlay_start_0:
0x88: {  	s2 =	sld [smem:$0x3FD9]  }
0x89: {  	s3 =	sld [smem:$0x3FFE];
	_ =	sdelay $0x1  }
0x8a: {  	s1 =	srdreg.scid  }
0x8b: {  	s0 =	sand.u32 $0x1, s1  }
0x8c: {  	s17 =	sshll.u32 s0, $0xA;
	s2 =	sadd.s32 s3, s2  }
0x8d: {  	s2 =	sadd.s32 s2, s17  }
0x8e: {  	[smem:$0x3FC4] =	sst s2  }
0x8f: {  	_ = 	snop  }
0x90: {  	s2 =	sld [smem:$0x3FC9];
	(tm) =	ssettm $0x1  }
0x91: {  	s18 =	sld [smem:$0x3FFB];
	_ =	sdelay $0x3  }
0x92: {  	_ =	strace s18  }
0x93: {  	s3 =	sld [smem:$0x3FFC];
	_ =	sdelay $0x3  }
0x94: {  	_ =	strace s3  }
0x95: {  	s3 =	sld [smem:$0x3FFD];
	_ =	sdelay $0x3  }
0x96: {  	_ =	strace s3  }
0x97: {  	_ =	strace $0x8FFFFFFF  }
0x98: {  	s19 =	sld [smem:$0x3FDB];
	_ =	sdelay $0x1  }
0x99: {  	s4 =	simm.s32 $_scs_section_size  }
0x9a: {  	s5 =	simm.s32 $_size__tile_overlayer_lowered;
	s6 =	simm.s32 $_tile_overlayer_lowered  }
0x9b: {  	s22 =	simm.s32 $0x1BFF;
	s21 =	sshll.u32 s6, $0x1;
	s3 =	sadd.s32 s4, s19  }
0x9c: {  	s7 =	simm.s32 $0x0;
	s20 =	sshll.u32 s5, $0x1;
	s5 =	sadd.s32 s21, s3  }
0x9d: {  	[timem:s7], [sflag:s22] =	dma.local [hbm:s5], s20  }
0x9e: {  	_ =	swait.ge [sflag:s22], s20  }
0x9f: {  	s4 =	ssub.s32 $0x0, s20;
	[sflag:s22] =	ssyncset.done $0x0  }
0xa0: {  	[sflag:s22] =	ssyncadd.s32 s4;
	_ =	sdelay $0x1  }
0xa1: {  	s23 =	simm.s32 $0x1B8B  }
0xa2: {  	_ =	swait.ge [sflag:s23], $0x1  }
0xa3: {  	[sflag:s23] =	ssyncset.done $0x0  }
0xa4: {  	s25 =	simm.s32 $0x1B8E;
	s24 =	sld [smem:$0x3FFE];
	[sflag:s23] =	ssyncadd.s32 $0xFFFFFFFF  }
0xa5: {  	s26 =	simm.s32 $execute0_lowered;
	[smem:$0x3FD2] =	sst s25  }
0xa6: {  	s5 =	sshll.u32 s26, $0x1;
	_ =	strace $0x80000046;
	[dreg:$0x1] =	wrdreg $0xFFFFFFFF  }
0xa7: {  	s28 =	simm.s32 $_size_execute0_lowered;
	s3 =	sadd.s32 s3, s5;
	[dreg:$0x0] =	wrdreg $0x0  }
0xa8: {  	s5 =	sshll.u32 s28, $0x1;
	[dreg:$0x2] =	wrdreg s3  }
0xa9: {  	[dreg:$0x3] =	wrdreg s5  }
0xaa: {  	[dreg:$0x4] =	wrdreg $0xC0  }
0xab: {  	_ =	task [dreg:s7], $0x5FFFF  }
0xac: {  	[dreg:$0x1] =	wrdreg $0xFFFFFFFF  }
0xad: {  	[dreg:$0x0] =	wrdreg $0x60  }
0xae: {  	[dreg:$0x2] =	wrdreg s2  }
0xaf: {  	[dreg:$0x3] =	wrdreg s24  }
0xb0: {  	[dreg:$0x4] =	wrdreg $0x9  }
0xb1: {  	_ =	task.clear_ibuf [dreg:s7], $0x5FFFF;
	_ =	strace $0x90000046  }
0xb2: {  	s29 =	simm.s32 $0x9;
	_ =	strace $0x80000048  }
0xb3: {  	_ =	swait.ge [sflag:s29], $0x1  }
0xb4: {  	[sflag:s29] =	ssyncadd.s32 $0xFFFFFFFF  }
0xb5: {  	_ =	strace $0x90000048  }
0xb6: {  	_ =	sfence  }
0xb7: {  	s30 =	sld [smem:$0x0];
	_ =	sdelay $0x2  }
0xb8: {  	s31 =	sshll.u32 s1, $0xD;
	s1 =	sshrl.u32 s1, $0x2  }
0xb9: {  	s3 =	sand.u32 $0x4000, s31;
	s1 =	sadd.s32 s1, s30  }
0xba: {  	s0 =	sor.u32 s3, s0;
	s1 =	sshll.u32 s1, $0x11  }
0xbb: {  	s0 =	sor.u32 s1, s0  }
0xbc: {  	s0 =	sadd.s32 $0x8F2B, s0  }
0xbd: {  	[sflag:s0] =	ssyncadd.remote.s32 $0x1  }
0xbe: {  	_ =	sfence.sel $0xFFFF  }
0xbf: {  	[dreg:$0x0] =	wrdreg $0xFFFFFFFF;
	(pc) =	sbr.abs _section_cstart, $3  }
0xc0: {  	[dreg:$0x1] =	wrdreg $0xFFFFFFFF  }
0xc1: {  	_ =	task.clear_ibuf [dreg:s7], $0x2FFFF;
	_ =	strace $0x9FFFFFFF  }
0xc2: {  	(tm) =	ssettm $0x7FFFFFFF  }
0xc3: {  	_ =	shalt  }
tec
execute0_lowered:
.L_overlay_start_1:
0x0: {  	(tag) =	ssettag $0x1  }
0x1: {  	s1 =	rddreg [dreg:$0x0]  }
0x2: {  	s0 =	rddreg [dreg:$0x1]  }
0x3: {  	s2 =	simm.s32 $0x0;
	s3 =	srdreg.scid;
	s7 =	stileid.u32  }
0x4: {  	s15 =	simm.s32 $0x5;
	s31 =	simm.s32 $0x80;
	[smem:$0x7FF] =	sst s2  }
0x5: {  	s3 =	sand.u32 $0x1, s3;
	s9 =	sadd.s32 $0xE00, s0;
	s4 =	sadd.s32 $0x1200, s0  }
0x6: {  	s10 =	sshll.u32 s7, $0x9;
	s7 =	sadd.s32 $0x300, s1;
	s8 =	sadd.s32 $0x1300, s0  }
0x7: {  	s11 =	sadd.s32 $0x1500, s0;
	_ =	strace $0x80000047;
	s5 =	ssub.s32 $0x2, s3  }
0x8: {  	s3 =	sshll.u32 s3, $0x8;
	[dreg:$0x3] =	wrdreg s31;
	s6 =	sshrl.u32 s5, $0x1  }
0x9: {  	s13 =	sor.u32 s3, s10;
	s10 =	sadd.s32 $0x1400, s0;
	s12 =	ssub.s32 s5, s6  }
0xa: {  	s29 =	sor.u32 $0x20, s13;
	s3 =	sshrl.u32 s13, $0x3;
	s12 =	smax.u32 s12, $0x1  }
0xb: {  	v0 =	vlaneseq.u32;
	s0 =	sshrl.u32 s29, $0x3;
	s30 =	sadd.s32 s3, s9;
	[dreg:$0x4] =	wrdreg s12  }
0xc: {  	vm0 =	vmmov $0xffff;
	v2 =	vshrl.u32 v0, $0x3;
	s5 =	sadd.s32 $0x100, s1;
	s0 =	sadd.s32 s0, s9;
	[dreg:$0x6] =	wrdreg s30  }
0xd: {  	v1 =	vand.u32 $0x7, v0;
	v3 =	vor.u32 $0x8, v0;
	v2 =	vmul.u32 $0x8, v2;
	s6 =	sadd.s32 $0x200, s1;
	s9 =	simm.s32 $0x0;
	[dreg:$0x5] =	wrdreg s0  }
.LBB2_1:
0xe: {  	[dreg:$0x7] =	wrdreg s9  }
0xf: {  	s30 =	rddreg [dreg:$0x6]  }
0x10: {  	s31 =	rddreg [dreg:$0x5];
	s0 =	simm.s32 $0x0  }
.LBB2_2:
0x11: {  	p0 =	seq.s32 s0, $0x0  }
0x12: {  	s3 =	simm.s32 @!p0 $0x3  }
0x13: {  	s12 =	sadd.s32 s0, s13;
	_ =	swait.ge @!p0 [sflag:s3], $0x8000  }
0x14: {  	v4 =	vor.u32 s12, v0;
	[sflag:s3] =	ssyncset.done @!p0 $0x0  }
0x15: {  	v5 =	vshll.u32 v4, $0x3;
	[sflag:s3] =	ssyncadd.s32 @!p0 $0xFFFF8000;
	s3 =	simm.s32 @!p0 $0x4  }
0x16: {  	v5 =	vand.u32 $0x7E40, v5;
	_ =	swait.ge @!p0 [sflag:s3], $0x8000  }
0x17: {  	v5 =	vor.u32 v1, v5;
	[sflag:s3] =	ssyncset.done @!p0 $0x0  }
0x18: {  	v6 =	vperm.xlane v5, v1;
	[sflag:s3] =	ssyncadd.s32 @!p0 $0xFFFF8000  }
0x19: {  	[tilespmem:s2], [sflag:$0x5] =	stream.linear.gather [hbm4b:s30+s2], $0x20, $0x38;
	[tilespmem:$0x10200] =	vst v63  }
0x1a: {  	v6 =	vadd.s32 v2, v6;
	_ =	swait.ge [sflag:s15], $0x20  }
0x1b: {  	s3 =	sadd.s32 $0x10, s12;
	[sflag:s15] =	ssyncset.done $0x0  }
0x1c: {  	v4 =	vand.u32 $0xFCF, v4;
	v7 =	vor.u32 s3, v0;
	[sflag:s15] =	ssyncadd.s32 $0xFFFFFFE0  }
0x1d: {  	[tilespmem:$0x100] =	vst v4;
	v4 =	vand.u32 $0xFFF, v7  }
0x1e: {  	s14 =	simm.s32 $0x200;
	[tilespmem:$0x110] =	vst v4  }
0x1f: {  	[tilespmem:s14], [sflag:$0x1] =	stream.indirect_vreg.gather [hbm4b:s1+s2], $0x80, v6, vm0, $0xb8;
	[tilespmem:$0x10200] =	vst v63  }
0x20: {  	v4 =	vperm.xlane v5, v3;
	s14 =	simm.s32 $0xA00  }
0x21: {  	[tilespmem:s14], [sflag:$0x1] =	stream.indirect_vreg.gather [hbm4b:s5+s2], $0x80, v6, vm0, $0xb8;
	[tilespmem:$0x10200] =	vst v63  }
0x22: {  	s9 =	simm.s32 $0x1200;
	v4 =	vadd.s32 v2, v4  }
0x23: {  	[tilespmem:s9], [sflag:$0x1] =	stream.indirect_vreg.gather [hbm4b:s6+s2], $0x80, v6, vm0, $0xb8;
	[tilespmem:$0x10200] =	vst v63  }
0x24: {  	s9 =	simm.s32 $0x1A00  }
0x25: {  	[tilespmem:s9], [sflag:$0x1] =	stream.indirect_vreg.gather [hbm4b:s7+s2], $0x80, v6, vm0, $0xb8;
	[tilespmem:$0x10200] =	vst v63  }
0x26: {  	s16 =	simm.s32 $0x2200  }
0x27: {  	[tilespmem:s16], [sflag:$0x1] =	stream.indirect_vreg.gather [hbm4b:s1+s2], $0x80, v4, vm0, $0xb8;
	[tilespmem:$0x10200] =	vst v63  }
0x28: {  	s16 =	simm.s32 $0x2A00  }
0x29: {  	[tilespmem:s16], [sflag:$0x1] =	stream.indirect_vreg.gather [hbm4b:s5+s2], $0x80, v4, vm0, $0xb8;
	[tilespmem:$0x10200] =	vst v63  }
0x2a: {  	s17 =	simm.s32 $0x3200  }
0x2b: {  	[tilespmem:s17], [sflag:$0x1] =	stream.indirect_vreg.gather [hbm4b:s6+s2], $0x80, v4, vm0, $0xb8;
	[tilespmem:$0x10200] =	vst v63  }
0x2c: {  	s17 =	simm.s32 $0x3A00  }
0x2d: {  	[tilespmem:s17], [sflag:$0x1] =	stream.indirect_vreg.gather [hbm4b:s7+s2], $0x80, v4, vm0, $0xb8;
	[tilespmem:$0x10200] =	vst v63  }
0x2e: {  	v4 =	vld [tilespmem:$0x110];
	_ =	sdelay $0x4  }
0x2f: {  	v5 =	vshll.u32 v4, $0x3  }
0x30: {  	v4 =	vand.u32 $0x7, v4;
	v5 =	vand.u32 $0xFFFFFFC0, v5  }
0x31: {  	v4 =	vor.u32 v4, v5  }
0x32: {  	v5 =	vperm.xlane v4, v1;
	_ =	sdelay $0x1  }
0x33: {  	v5 =	vadd.s32 v2, v5;
	_ =	sdelay $0x3  }
0x34: {  	s18 =	simm.s32 $0x4200  }
0x35: {  	[tilespmem:s18], [sflag:$0x1] =	stream.indirect_vreg.gather [hbm4b:s1+s2], $0x80, v5, vm0, $0xb8;
	[tilespmem:$0x10200] =	vst v63  }
0x36: {  	v4 =	vperm.xlane v4, v3;
	s18 =	simm.s32 $0x4A00  }
0x37: {  	[tilespmem:s18], [sflag:$0x1] =	stream.indirect_vreg.gather [hbm4b:s5+s2], $0x80, v5, vm0, $0xb8;
	[tilespmem:$0x10200] =	vst v63  }
0x38: {  	s19 =	simm.s32 $0x5200;
	v4 =	vadd.s32 v2, v4  }
0x39: {  	[tilespmem:s19], [sflag:$0x1] =	stream.indirect_vreg.gather [hbm4b:s6+s2], $0x80, v5, vm0, $0xb8;
	[tilespmem:$0x10200] =	vst v63  }
0x3a: {  	s19 =	simm.s32 $0x5A00  }
0x3b: {  	[tilespmem:s19], [sflag:$0x1] =	stream.indirect_vreg.gather [hbm4b:s7+s2], $0x80, v5, vm0, $0xb8;
	[tilespmem:$0x10200] =	vst v63  }
0x3c: {  	s20 =	simm.s32 $0x6200  }
0x3d: {  	[tilespmem:s20], [sflag:$0x1] =	stream.indirect_vreg.gather [hbm4b:s1+s2], $0x80, v4, vm0, $0xb8;
	[tilespmem:$0x10200] =	vst v63  }
0x3e: {  	s14 =	sadd.s32 $0x20, s12;
	s20 =	simm.s32 $0x6A00  }
0x3f: {  	[tilespmem:s20], [sflag:$0x1] =	stream.indirect_vreg.gather [hbm4b:s5+s2], $0x80, v4, vm0, $0xb8;
	[tilespmem:$0x10200] =	vst v63  }
0x40: {  	s21 =	simm.s32 $0x7200;
	v5 =	vor.u32 s14, v0  }
0x41: {  	v62 =	vshll.u32 v5, $0x3;
	[tilespmem:s21], [sflag:$0x1] =	stream.indirect_vreg.gather [hbm4b:s6+s2], $0x80, v4, vm0, $0xb8;
	[tilespmem:$0x10200] =	vst v63  }
0x42: {  	v6 =	vand.u32 $0x7F40, v62;
	s21 =	simm.s32 $0x7A00  }
0x43: {  	[tilespmem:s21], [sflag:$0x1] =	stream.indirect_vreg.gather [hbm4b:s7+s2], $0x80, v4, vm0, $0xb8;
	v4 =	vor.u32 v1, v6;
	[tilespmem:$0x10200] =	vst v63  }
0x44: {  	s14 =	rddreg [dreg:$0x3];
	v6 =	vperm.xlane v4, v1  }
0x45: {  	[tilespmem:s14], [sflag:$0x5] =	stream.linear.gather [hbm4b:s31+s2], $0x20, $0x38;
	[tilespmem:$0x10200] =	vst v63  }
0x46: {  	_ =	swait.ge [sflag:s15], $0x20;
	v6 =	vadd.s32 v2, v6  }
0x47: {  	s12 =	sadd.s32 $0x30, s12;
	[sflag:s15] =	ssyncset.done $0x0  }
0x48: {  	v63 =	vor.u32 s12, v0;
	v5 =	vand.u32 $0xFEF, v5;
	[sflag:s15] =	ssyncadd.s32 $0xFFFFFFE0  }
0x49: {  	[tilespmem:$0x180] =	vst v5;
	v5 =	vand.u32 $0xFFF, v63  }
0x4a: {  	s14 =	simm.s32 $0x8200;
	[tilespmem:$0x190] =	vst v5  }
0x4b: {  	[tilespmem:s14], [sflag:$0x2] =	stream.indirect_vreg.gather [hbm4b:s1+s2], $0x80, v6, vm0, $0xb8;
	[tilespmem:$0x10200] =	vst v63  }
0x4c: {  	s22 =	simm.s32 $0x8A00;
	v4 =	vperm.xlane v4, v3  }
0x4d: {  	[tilespmem:s22], [sflag:$0x2] =	stream.indirect_vreg.gather [hbm4b:s5+s2], $0x80, v6, vm0, $0xb8;
	[tilespmem:$0x10200] =	vst v63  }
0x4e: {  	v4 =	vadd.s32 v2, v4;
	s22 =	simm.s32 $0x9200  }
0x4f: {  	[tilespmem:s22], [sflag:$0x2] =	stream.indirect_vreg.gather [hbm4b:s6+s2], $0x80, v6, vm0, $0xb8;
	[tilespmem:$0x10200] =	vst v63  }
0x50: {  	s23 =	simm.s32 $0x9A00  }
0x51: {  	[tilespmem:s23], [sflag:$0x2] =	stream.indirect_vreg.gather [hbm4b:s7+s2], $0x80, v6, vm0, $0xb8;
	[tilespmem:$0x10200] =	vst v63  }
0x52: {  	s23 =	simm.s32 $0xA200  }
0x53: {  	[tilespmem:s23], [sflag:$0x2] =	stream.indirect_vreg.gather [hbm4b:s1+s2], $0x80, v4, vm0, $0xb8;
	[tilespmem:$0x10200] =	vst v63  }
0x54: {  	s24 =	simm.s32 $0xAA00  }
0x55: {  	[tilespmem:s24], [sflag:$0x2] =	stream.indirect_vreg.gather [hbm4b:s5+s2], $0x80, v4, vm0, $0xb8;
	[tilespmem:$0x10200] =	vst v63  }
0x56: {  	s24 =	simm.s32 $0xB200  }
0x57: {  	[tilespmem:s24], [sflag:$0x2] =	stream.indirect_vreg.gather [hbm4b:s6+s2], $0x80, v4, vm0, $0xb8;
	[tilespmem:$0x10200] =	vst v63  }
0x58: {  	s25 =	simm.s32 $0xBA00  }
0x59: {  	[tilespmem:s25], [sflag:$0x2] =	stream.indirect_vreg.gather [hbm4b:s7+s2], $0x80, v4, vm0, $0xb8;
	[tilespmem:$0x10200] =	vst v63  }
0x5a: {  	v4 =	vld [tilespmem:$0x190];
	_ =	sdelay $0x4  }
0x5b: {  	v5 =	vshll.u32 v4, $0x3  }
0x5c: {  	v4 =	vand.u32 $0x7, v4;
	v5 =	vand.u32 $0xFFFFFFC0, v5  }
0x5d: {  	v4 =	vor.u32 v4, v5  }
0x5e: {  	v5 =	vperm.xlane v4, v1;
	_ =	sdelay $0x1  }
0x5f: {  	v5 =	vadd.s32 v2, v5;
	_ =	sdelay $0x3  }
0x60: {  	s25 =	simm.s32 $0xC200  }
0x61: {  	[tilespmem:s25], [sflag:$0x2] =	stream.indirect_vreg.gather [hbm4b:s1+s2], $0x80, v5, vm0, $0xb8;
	[tilespmem:$0x10200] =	vst v63  }
0x62: {  	s26 =	simm.s32 $0xCA00;
	v4 =	vperm.xlane v4, v3  }
0x63: {  	[tilespmem:s26], [sflag:$0x2] =	stream.indirect_vreg.gather [hbm4b:s5+s2], $0x80, v5, vm0, $0xb8;
	[tilespmem:$0x10200] =	vst v63  }
0x64: {  	v4 =	vadd.s32 v2, v4;
	s26 =	simm.s32 $0xD200  }
0x65: {  	[tilespmem:s26], [sflag:$0x2] =	stream.indirect_vreg.gather [hbm4b:s6+s2], $0x80, v5, vm0, $0xb8;
	[tilespmem:$0x10200] =	vst v63  }
0x66: {  	s28 =	simm.s32 $0xDA00  }
0x67: {  	[tilespmem:s28], [sflag:$0x2] =	stream.indirect_vreg.gather [hbm4b:s7+s2], $0x80, v5, vm0, $0xb8;
	[tilespmem:$0x10200] =	vst v63  }
0x68: {  	s28 =	simm.s32 $0xE200  }
0x69: {  	[tilespmem:s28], [sflag:$0x2] =	stream.indirect_vreg.gather [hbm4b:s1+s2], $0x80, v4, vm0, $0xb8;
	[tilespmem:$0x10200] =	vst v63  }
0x6a: {  	s29 =	simm.s32 $0xEA00  }
0x6b: {  	[tilespmem:s29], [sflag:$0x2] =	stream.indirect_vreg.gather [hbm4b:s5+s2], $0x80, v4, vm0, $0xb8;
	[tilespmem:$0x10200] =	vst v63  }
0x6c: {  	s29 =	simm.s32 $0xF200  }
0x6d: {  	[tilespmem:s29], [sflag:$0x2] =	stream.indirect_vreg.gather [hbm4b:s6+s2], $0x80, v4, vm0, $0xb8;
	[tilespmem:$0x10200] =	vst v63  }
0x6e: {  	s12 =	simm.s32 $0xFA00  }
0x6f: {  	[tilespmem:s12], [sflag:$0x2] =	stream.indirect_vreg.gather [hbm4b:s7+s2], $0x80, v4, vm0, $0xb8;
	[tilespmem:$0x10200] =	vst v63  }
0x70: {  	s12 =	smov.u32 s1;
	s1 =	simm.s32 $0x1  }
0x71: {  	_ =	swait.ge [sflag:s1], $0x8000  }
0x72: {  	[sflag:s1] =	ssyncset.done $0x0  }
0x73: {  	[sflag:s1] =	ssyncadd.s32 $0xFFFF8000  }
0x74: {  	v4 =	vld [tilespmem:$0x0];
	_ =	sdelay $0x4  }
0x75: {  	v5 =	vshll.u32 v4, $0x3  }
0x76: {  	v4 =	vand.u32 $0x7, v4;
	v5 =	vand.u32 $0xFFFFFFC0, v5  }
0x77: {  	v4 =	vor.u32 v4, v5  }
0x78: {  	v5 =	vperm.xlane v4, v1;
	_ =	sdelay $0x1  }
0x79: {  	v5 =	vadd.s32 v2, v5;
	_ =	sdelay $0x3  }
0x7a: {  	s3 =	simm.s32 $0x200  }
0x7b: {  	[hbm4b:s4+s2] =	stream.indirect_vreg.scatter [tilespmem:s3], [sflag:$0x3], $0x80, v5, vm0, $0xb8;
	[tilespmem:$0x10200] =	vst v63  }
0x7c: {  	s1 =	smov.u32 s12;
	s12 =	simm.s32 $0xA00;
	v4 =	vperm.xlane v4, v3  }
0x7d: {  	[hbm4b:s8+s2] =	stream.indirect_vreg.scatter [tilespmem:s12], [sflag:$0x3], $0x80, v5, vm0, $0xb8;
	[tilespmem:$0x10200] =	vst v63  }
0x7e: {  	v4 =	vadd.s32 v2, v4;
	s3 =	simm.s32 $0x1200  }
0x7f: {  	[hbm4b:s10+s2] =	stream.indirect_vreg.scatter [tilespmem:s3], [sflag:$0x3], $0x80, v5, vm0, $0xb8;
	[tilespmem:$0x10200] =	vst v63  }
0x80: {  	_ = 	snop  }
0x81: {  	[hbm4b:s11+s2] =	stream.indirect_vreg.scatter [tilespmem:s9], [sflag:$0x3], $0x80, v5, vm0, $0xb8;
	[tilespmem:$0x10200] =	vst v63  }
0x82: {  	s12 =	simm.s32 $0x2200  }
0x83: {  	[hbm4b:s4+s2] =	stream.indirect_vreg.scatter [tilespmem:s12], [sflag:$0x3], $0x80, v4, vm0, $0xb8;
	[tilespmem:$0x10200] =	vst v63  }
0x84: {  	_ = 	snop  }
0x85: {  	[hbm4b:s8+s2] =	stream.indirect_vreg.scatter [tilespmem:s16], [sflag:$0x3], $0x80, v4, vm0, $0xb8;
	[tilespmem:$0x10200] =	vst v63  }
0x86: {  	s12 =	simm.s32 $0x3200  }
0x87: {  	[hbm4b:s10+s2] =	stream.indirect_vreg.scatter [tilespmem:s12], [sflag:$0x3], $0x80, v4, vm0, $0xb8;
	[tilespmem:$0x10200] =	vst v63  }
0x88: {  	_ = 	snop  }
0x89: {  	[hbm4b:s11+s2] =	stream.indirect_vreg.scatter [tilespmem:s17], [sflag:$0x3], $0x80, v4, vm0, $0xb8;
	[tilespmem:$0x10200] =	vst v63  }
0x8a: {  	v4 =	vld [tilespmem:$0x10];
	_ =	sdelay $0x4  }
0x8b: {  	v5 =	vshll.u32 v4, $0x3  }
0x8c: {  	v4 =	vand.u32 $0x7, v4;
	v5 =	vand.u32 $0xFFFFFFC0, v5  }
0x8d: {  	v4 =	vor.u32 v4, v5  }
0x8e: {  	v5 =	vperm.xlane v4, v1;
	_ =	sdelay $0x1  }
0x8f: {  	v5 =	vadd.s32 v2, v5;
	_ =	sdelay $0x3  }
0x90: {  	s16 =	simm.s32 $0x4200  }
0x91: {  	[hbm4b:s4+s2] =	stream.indirect_vreg.scatter [tilespmem:s16], [sflag:$0x3], $0x80, v5, vm0, $0xb8;
	[tilespmem:$0x10200] =	vst v63  }
0x92: {  	v4 =	vperm.xlane v4, v3  }
0x93: {  	[hbm4b:s8+s2] =	stream.indirect_vreg.scatter [tilespmem:s18], [sflag:$0x3], $0x80, v5, vm0, $0xb8;
	[tilespmem:$0x10200] =	vst v63  }
0x94: {  	s17 =	simm.s32 $0x5200;
	v4 =	vadd.s32 v2, v4  }
0x95: {  	[hbm4b:s10+s2] =	stream.indirect_vreg.scatter [tilespmem:s17], [sflag:$0x3], $0x80, v5, vm0, $0xb8;
	[tilespmem:$0x10200] =	vst v63  }
0x96: {  	_ = 	snop  }
0x97: {  	[hbm4b:s11+s2] =	stream.indirect_vreg.scatter [tilespmem:s19], [sflag:$0x3], $0x80, v5, vm0, $0xb8;
	[tilespmem:$0x10200] =	vst v63  }
0x98: {  	s18 =	simm.s32 $0x6200  }
0x99: {  	[hbm4b:s4+s2] =	stream.indirect_vreg.scatter [tilespmem:s18], [sflag:$0x3], $0x80, v4, vm0, $0xb8;
	[tilespmem:$0x10200] =	vst v63  }
0x9a: {  	_ = 	snop  }
0x9b: {  	[hbm4b:s8+s2] =	stream.indirect_vreg.scatter [tilespmem:s20], [sflag:$0x3], $0x80, v4, vm0, $0xb8;
	[tilespmem:$0x10200] =	vst v63  }
0x9c: {  	s19 =	simm.s32 $0x7200  }
0x9d: {  	[hbm4b:s10+s2] =	stream.indirect_vreg.scatter [tilespmem:s19], [sflag:$0x3], $0x80, v4, vm0, $0xb8;
	[tilespmem:$0x10200] =	vst v63  }
0x9e: {  	s9 =	simm.s32 $0x2  }
0x9f: {  	[hbm4b:s11+s2] =	stream.indirect_vreg.scatter [tilespmem:s21], [sflag:$0x3], $0x80, v4, vm0, $0xb8;
	[tilespmem:$0x10200] =	vst v63  }
0xa0: {  	_ =	swait.ge [sflag:s9], $0x8000  }
0xa1: {  	[sflag:s9] =	ssyncset.done $0x0  }
0xa2: {  	[sflag:s9] =	ssyncadd.s32 $0xFFFF8000  }
0xa3: {  	v4 =	vld [tilespmem:$0x80];
	_ =	sdelay $0x4  }
0xa4: {  	v5 =	vshll.u32 v4, $0x3  }
0xa5: {  	v4 =	vand.u32 $0x7, v4;
	v5 =	vand.u32 $0xFFFFFFC0, v5  }
0xa6: {  	v4 =	vor.u32 v4, v5  }
0xa7: {  	v5 =	vperm.xlane v4, v1;
	_ =	sdelay $0x1  }
0xa8: {  	v5 =	vadd.s32 v2, v5;
	_ =	sdelay $0x4  }
0xa9: {  	[hbm4b:s4+s2] =	stream.indirect_vreg.scatter [tilespmem:s14], [sflag:$0x4], $0x80, v5, vm0, $0xb8;
	[tilespmem:$0x10200] =	vst v63  }
0xaa: {  	s20 =	simm.s32 $0x8A00;
	v4 =	vperm.xlane v4, v3  }
0xab: {  	[hbm4b:s8+s2] =	stream.indirect_vreg.scatter [tilespmem:s20], [sflag:$0x4], $0x80, v5, vm0, $0xb8;
	[tilespmem:$0x10200] =	vst v63  }
0xac: {  	v4 =	vadd.s32 v2, v4  }
0xad: {  	[hbm4b:s10+s2] =	stream.indirect_vreg.scatter [tilespmem:s22], [sflag:$0x4], $0x80, v5, vm0, $0xb8;
	[tilespmem:$0x10200] =	vst v63  }
0xae: {  	s21 =	simm.s32 $0x9A00  }
0xaf: {  	[hbm4b:s11+s2] =	stream.indirect_vreg.scatter [tilespmem:s21], [sflag:$0x4], $0x80, v5, vm0, $0xb8;
	[tilespmem:$0x10200] =	vst v63  }
0xb0: {  	_ = 	snop  }
0xb1: {  	[hbm4b:s4+s2] =	stream.indirect_vreg.scatter [tilespmem:s23], [sflag:$0x4], $0x80, v4, vm0, $0xb8;
	[tilespmem:$0x10200] =	vst v63  }
0xb2: {  	s22 =	simm.s32 $0xAA00  }
0xb3: {  	[hbm4b:s8+s2] =	stream.indirect_vreg.scatter [tilespmem:s22], [sflag:$0x4], $0x80, v4, vm0, $0xb8;
	[tilespmem:$0x10200] =	vst v63  }
0xb4: {  	_ = 	snop  }
0xb5: {  	[hbm4b:s10+s2] =	stream.indirect_vreg.scatter [tilespmem:s24], [sflag:$0x4], $0x80, v4, vm0, $0xb8;
	[tilespmem:$0x10200] =	vst v63  }
0xb6: {  	s23 =	simm.s32 $0xBA00  }
0xb7: {  	[hbm4b:s11+s2] =	stream.indirect_vreg.scatter [tilespmem:s23], [sflag:$0x4], $0x80, v4, vm0, $0xb8;
	[tilespmem:$0x10200] =	vst v63  }
0xb8: {  	v4 =	vld [tilespmem:$0x90];
	_ =	sdelay $0x4  }
0xb9: {  	v5 =	vshll.u32 v4, $0x3  }
0xba: {  	v4 =	vand.u32 $0x7, v4;
	v5 =	vand.u32 $0xFFFFFFC0, v5  }
0xbb: {  	v4 =	vor.u32 v4, v5  }
0xbc: {  	v5 =	vperm.xlane v4, v1;
	_ =	sdelay $0x1  }
0xbd: {  	v5 =	vadd.s32 v2, v5;
	_ =	sdelay $0x4  }
0xbe: {  	[hbm4b:s4+s2] =	stream.indirect_vreg.scatter [tilespmem:s25], [sflag:$0x4], $0x80, v5, vm0, $0xb8;
	[tilespmem:$0x10200] =	vst v63  }
0xbf: {  	s24 =	simm.s32 $0xCA00;
	v4 =	vperm.xlane v4, v3  }
0xc0: {  	[hbm4b:s8+s2] =	stream.indirect_vreg.scatter [tilespmem:s24], [sflag:$0x4], $0x80, v5, vm0, $0xb8;
	[tilespmem:$0x10200] =	vst v63  }
0xc1: {  	v4 =	vadd.s32 v2, v4  }
0xc2: {  	[hbm4b:s10+s2] =	stream.indirect_vreg.scatter [tilespmem:s26], [sflag:$0x4], $0x80, v5, vm0, $0xb8;
	[tilespmem:$0x10200] =	vst v63  }
0xc3: {  	s25 =	simm.s32 $0xDA00  }
0xc4: {  	[hbm4b:s11+s2] =	stream.indirect_vreg.scatter [tilespmem:s25], [sflag:$0x4], $0x80, v5, vm0, $0xb8;
	[tilespmem:$0x10200] =	vst v63  }
0xc5: {  	s0 =	sadd.s32 $0x40, s0  }
0xc6: {  	[hbm4b:s4+s2] =	stream.indirect_vreg.scatter [tilespmem:s28], [sflag:$0x4], $0x80, v4, vm0, $0xb8;
	[tilespmem:$0x10200] =	vst v63  }
0xc7: {  	p0 =	sne.s32 s0, $0x100;
	s26 =	simm.s32 $0xEA00  }
0xc8: {  	[hbm4b:s8+s2] =	stream.indirect_vreg.scatter [tilespmem:s26], [sflag:$0x4], $0x80, v4, vm0, $0xb8;
	[tilespmem:$0x10200] =	vst v63  }
.Ltmp0:
0xc9: {  	_ = 	snop;
	(pc) =	sbr.rel @p0 .LBB2_2-.Ltmp0, $4  }
0xca: {  	s30 =	sadd.s32 $0x8, s30  }
0xcb: {  	[hbm4b:s10+s2] =	stream.indirect_vreg.scatter [tilespmem:s29], [sflag:$0x4], $0x80, v4, vm0, $0xb8;
	[tilespmem:$0x10200] =	vst v63  }
0xcc: {  	s31 =	sadd.s32 $0x8, s31;
	s15 =	simm.s32 $0x5;
	s28 =	simm.s32 $0xFA00  }
0xcd: {  	[hbm4b:s11+s2] =	stream.indirect_vreg.scatter [tilespmem:s28], [sflag:$0x4], $0x80, v4, vm0, $0xb8;
	[tilespmem:$0x10200] =	vst v63  }
0xce: {  	s0 =	simm.s32 $0x3  }
0xcf: {  	_ =	swait.ge [sflag:s0], $0x8000  }
0xd0: {  	[sflag:s0] =	ssyncset.done $0x0  }
0xd1: {  	s3 =	simm.s32 $0x4;
	[sflag:s0] =	ssyncadd.s32 $0xFFFF8000  }
0xd2: {  	_ =	swait.ge [sflag:s3], $0x8000  }
0xd3: {  	s9 =	rddreg [dreg:$0x7]  }
0xd4: {  	s31 =	rddreg [dreg:$0x4];
	s9 =	sadd.s32 $0x1, s9  }
0xd5: {  	p0 =	sne.s32 s9, s31  }
.Ltmp1:
0xd6: {  	_ = 	snop;
	(pc) =	sbr.rel @p0 .LBB2_1-.Ltmp1, $3  }
0xd7: {  	_ =	sdelay $0x1  }
0xd8: {  	[sflag:s3] =	ssyncset.done $0x0  }
0xd9: {  	[sflag:s3] =	ssyncadd.s32 $0xFFFF8000  }
0xda: {  	_ =	sfence.sel $0x180000  }
0xdb: {  	[bflag:$0x0] =	sbarrier.arrive $0xFFFF  }
0xdc: {  	_ =	strace $0x90000047  }
0xdd: {  	s0 =	stileid.u32;
	[bflag:$0x2] =	sbarrier.arrive $0xFFFF  }
0xde: {  	p0 =	sne.s32 s0, $0x0;
	s0 =	rddreg [dreg:$0x2]  }
0xdf: {  	s0 =	sadd.s32 @!p0 $0x100000, s0  }
0xe0: {  	[sflag:s0] =	ssyncadd.tile.s32 @!p0 $0x1;
	_ =	shalt  }
.Lfunc_end2:
_tile_overlayer_lowered:
.L_overlay_start_2:
0xe1: {  	(tag) =	ssettag $0x2  }
0xe2: {  	s0 =	rddreg [dreg:$0x0];
	s2 =	stileid.u32  }
0xe3: {  	s1 =	rddreg [dreg:$0x1];
	p0 =	sne.s32 s2, $0x0  }
0xe4: {  	s3 =	rddreg [dreg:$0x2];
	[bflag:$0x3] =	sbarrier.arrive $0xFFFF;
	s2 =	simm.s32 @!p0 $0x1C05  }
0xe5: {  	[timem:s3], [sflag:s2] =	dma.local @!p0 [hbm:s0], s1  }
0xe6: {  	s0 =	simm.s32 @!p0 $0x5  }
0xe7: {  	_ =	swait.ge @!p0 [sflag:s0], s1  }
0xe8: {  	s1 =	ssub.s32 @!p0 $0x0, s1;
	[sflag:s0] =	ssyncset.done @!p0 $0x0  }
0xe9: {  	[sflag:s0] =	ssyncadd.s32 @!p0 s1  }
0xea: {  	[bflag:$0x3] =	sbarrier.arrive $0xFFFF  }
0xeb: {  	_ =	shalt  }

// kernel: kernel.9.cloned.1.call-start
scs
__scs_entry_jumppad:
0x0: {  	(pc) =	sbr.rel $0x88, $3  }
0x1: {  	(tag) =	ssettag $0x0;
	lr =	simm.s32 $0x1  }
0x2: {  	[smem:$0x3F9D] =	sst lr;
	_ =	strace $0xD0000000  }
0x3: {  	_ = 	snop  }
0x4: {  	_ = 	snop  }
0x5: {  	_ = 	snop  }
0x6: {  	_ = 	snop  }
0x7: {  	_ = 	snop  }
__scs_overlays_trampoline_lowered:
0x8: {  	[smem:$0x3FAC] =	sst s0  }
0x9: {  	[smem:$0x3FAD] =	sst s1  }
0xa: {  	[smem:$0x3FAE] =	sst s2  }
0xb: {  	[smem:$0x3FAF] =	sst s3  }
0xc: {  	[smem:$0x3FB0] =	sst s4  }
0xd: {  	[smem:$0x3FB1] =	sst s5  }
0xe: {  	[smem:$0x3FB2] =	sst s6  }
0xf: {  	[smem:$0x3FB3] =	sst s7  }
0x10: {  	[smem:$0x3FB4] =	sst s8  }
0x11: {  	[smem:$0x3FB5] =	sst s9;
	s0 =	simm.s32 @!p0 $0x0  }
0x12: {  	s1 =	sld [smem:$0x3F9B];
	s0 =	simm.s32 @p0 $0x1  }
0x13: {  	[smem:$0x3FB6] =	sst s0;
	s0 =	simm.s32 @!p1 $0x0  }
0x14: {  	s2 =	sld [smem:$0x3F9A];
	s0 =	simm.s32 @p1 $0x1  }
0x15: {  	[smem:$0x3FB7] =	sst s0;
	s0 =	simm.s32 @!p2 $0x0  }
0x16: {  	s3 =	sld [smem:$0x3FDB];
	s0 =	simm.s32 @p2 $0x1  }
0x17: {  	s4 =	simm.s32 $0x1BF5;
	[smem:$0x3FB9] =	sst s0  }
0x18: {  	s0 =	sld [smem:$0x3F9C];
	_ =	swait.ge [sflag:s4], $0x0  }
0x19: {  	s7 =	sld [smem:$0x3F9D]  }
0x1a: {  	s8 =	sadd.s32 $0xFFFFE003, lr  }
0x1b: {  	s9 =	sadd.s32 $0xFFFFFEF7, lr;
	s5 =	simm.s32 $0xFFFFFFFF;
	p2 =	slt.u32 s8, $0xFFFFF086  }
0x1c: {  	p1 =	slt.u32 s9, $0xF7A;
	s5 =	simm.s32 @!p2 $0x0  }
0x1d: {  	s5 =	simm.s32 @p1 $0x1;
	p0 =	seq.s32 s7, s2  }
0x1e: {  	s7 =	smul.u32 @!p0 $0xF7A, s2;
	p2 =	seq.s32 @!p0 s5, $0x0  }
0x1f: {  	s9 =	smul.u32 $0xF7A, s1;
	s8 =	simm.s32 @!p0 $0x1BF5;
	p2 =	por !p2, p0  }
0x20: {  	[sflag:s8] =	ssyncset.s32 @!p0 $0xFFFFF086;
	s6 =	sadd.s32 @!p0 s3, s7;
	s7 =	simm.s32 @!p0 $0x108  }
0x21: {  	s3 =	sadd.s32 s3, s9;
	s6 =	sadd.s32 @!p0 $0x88, s6;
	s7 =	simm.s32 @p2 $0x1082  }
0x22: {  	[simem:s7], [sflag:s8] =	dma.local @!p0 [hbm:s6], $0xF7A  }
0x23: {  	s9 =	sor.u32 $0xD0000000, s2;
	s6 =	simm.s32 $0x108;
	_ =	swait.ge @!p0 [sflag:s8], $0x0  }
0x24: {  	s3 =	sadd.s32 $0x88, s3;
	s6 =	simm.s32 @!p1 $0x1082;
	[sflag:s4] =	ssyncset.s32 $0xFFFFF086  }
0x25: {  	[simem:s6], [sflag:s4] =	dma.local [hbm:s3], $0xF7A  }
0x26: {  	[smem:$0x3F9D] =	sst s1;
	(tag) =	ssettag s2;
	_ =	strace s9  }
0x27: {  	s1 =	sld [smem:$0x3FAD]  }
0x28: {  	s2 =	sld [smem:$0x3FAE]  }
0x29: {  	s4 =	sld [smem:$0x3FB0]  }
0x2a: {  	p0 =	seq.s32 s5, $0x0;
	s5 =	sld [smem:$0x3FB1]  }
0x2b: {  	s6 =	sld [smem:$0x3FB2]  }
0x2c: {  	s7 =	sld [smem:$0x3FB3]  }
0x2d: {  	s3 =	simm.s32 $0x108;
	s8 =	sld [smem:$0x3FB4]  }
0x2e: {  	s3 =	simm.s32 @!p0 $0x1082;
	s9 =	sld [smem:$0x3FB5]  }
0x2f: {  	lr =	sadd.s32 s0, s3;
	s0 =	sld [smem:$0x3FAC]  }
0x30: {  	s3 =	sld [smem:$0x3FAF]  }
0x31: {  	[smem:$0x3FB8] =	sst s10  }
0x32: {  	s10 =	sld [smem:$0x3FB6];
	_ =	sdelay $0x3  }
0x33: {  	p0 =	seq.s32 s10, $0x1;
	s10 =	sld [smem:$0x3FB8];
	_ =	sdelay $0x3  }
0x34: {  	[smem:$0x3FB8] =	sst s10  }
0x35: {  	s10 =	sld [smem:$0x3FB7];
	_ =	sdelay $0x3  }
0x36: {  	p1 =	seq.s32 s10, $0x1;
	s10 =	sld [smem:$0x3FB8];
	_ =	sdelay $0x3  }
0x37: {  	[smem:$0x3FB8] =	sst s10  }
0x38: {  	s10 =	sld [smem:$0x3FB9]  }
0x39: {  	_ = 	snop;
	(pc) =	sbr.ind lr, $3  }
0x3a: {  	_ = 	snop  }
0x3b: {  	_ = 	snop  }
0x3c: {  	p2 =	seq.s32 s10, $0x1;
	s10 =	sld [smem:$0x3FB8]  }
0x3d: {  	_ =	shalt  }
0x3e: {  	_ =	shalt  }
0x3f: {  	_ =	shalt  }
0x40: {  	_ =	shalt  }
0x41: {  	_ =	shalt  }
0x42: {  	_ =	shalt  }
0x43: {  	_ =	shalt  }
0x44: {  	_ =	shalt  }
0x45: {  	_ =	shalt  }
0x46: {  	_ =	shalt  }
0x47: {  	_ =	shalt  }
0x48: {  	_ =	shalt  }
0x49: {  	_ =	shalt  }
0x4a: {  	_ =	shalt  }
0x4b: {  	_ =	shalt  }
0x4c: {  	_ =	shalt  }
0x4d: {  	_ =	shalt  }
0x4e: {  	_ =	shalt  }
0x4f: {  	_ =	shalt  }
0x50: {  	_ =	shalt  }
0x51: {  	_ =	shalt  }
0x52: {  	_ =	shalt  }
0x53: {  	_ =	shalt  }
0x54: {  	_ =	shalt  }
0x55: {  	_ =	shalt  }
0x56: {  	_ =	shalt  }
0x57: {  	_ =	shalt  }
0x58: {  	_ =	shalt  }
0x59: {  	_ =	shalt  }
0x5a: {  	_ =	shalt  }
0x5b: {  	_ =	shalt  }
0x5c: {  	_ =	shalt  }
0x5d: {  	_ =	shalt  }
0x5e: {  	_ =	shalt  }
0x5f: {  	_ =	shalt  }
0x60: {  	_ =	shalt  }
0x61: {  	_ =	shalt  }
0x62: {  	_ =	shalt  }
0x63: {  	_ =	shalt  }
0x64: {  	_ =	shalt  }
0x65: {  	_ =	shalt  }
0x66: {  	_ =	shalt  }
0x67: {  	_ =	shalt  }
0x68: {  	_ =	shalt  }
0x69: {  	_ =	shalt  }
0x6a: {  	_ =	shalt  }
0x6b: {  	_ =	shalt  }
0x6c: {  	_ =	shalt  }
0x6d: {  	_ =	shalt  }
0x6e: {  	_ =	shalt  }
0x6f: {  	_ =	shalt  }
0x70: {  	_ =	shalt  }
0x71: {  	_ =	shalt  }
0x72: {  	_ =	shalt  }
0x73: {  	_ =	shalt  }
0x74: {  	_ =	shalt  }
0x75: {  	_ =	shalt  }
0x76: {  	_ =	shalt  }
0x77: {  	_ =	shalt  }
0x78: {  	_ =	shalt  }
0x79: {  	_ =	shalt  }
0x7a: {  	_ =	shalt  }
0x7b: {  	_ =	shalt  }
0x7c: {  	_ =	shalt  }
0x7d: {  	_ =	shalt  }
0x7e: {  	_ =	shalt  }
0x7f: {  	_ =	shalt  }
0x80: {  	_ =	shalt  }
0x81: {  	_ =	shalt  }
0x82: {  	_ =	shalt  }
0x83: {  	_ =	shalt  }
0x84: {  	_ =	shalt  }
0x85: {  	_ =	shalt  }
0x86: {  	_ =	shalt  }
0x87: {  	_ =	shalt  }
.Lfunc_end0:
.L_simem_size_0:
called_computation.1_lowered:
.L_overlay_start_0:
0x88: {  	s2 =	sld [smem:$0x3FD9]  }
0x89: {  	s3 =	sld [smem:$0x3FFE];
	_ =	sdelay $0x1  }
0x8a: {  	s1 =	srdreg.scid  }
0x8b: {  	s0 =	sand.u32 $0x1, s1  }
0x8c: {  	s17 =	sshll.u32 s0, $0xA;
	s2 =	sadd.s32 s3, s2  }
0x8d: {  	s2 =	sadd.s32 s2, s17  }
0x8e: {  	[smem:$0x3FC4] =	sst s2  }
0x8f: {  	_ = 	snop  }
0x90: {  	s2 =	sld [smem:$0x3FD0];
	(tm) =	ssettm $0x1  }
0x91: {  	s18 =	sld [smem:$0x3FFB];
	_ =	sdelay $0x3  }
0x92: {  	_ =	strace s18  }
0x93: {  	s3 =	sld [smem:$0x3FFC];
	_ =	sdelay $0x3  }
0x94: {  	_ =	strace s3  }
0x95: {  	s3 =	sld [smem:$0x3FFD];
	_ =	sdelay $0x3  }
0x96: {  	_ =	strace s3  }
0x97: {  	_ =	strace $0x8FFFFFFF  }
0x98: {  	s19 =	sld [smem:$0x3FDB];
	_ =	sdelay $0x1  }
0x99: {  	s4 =	simm.s32 $_scs_section_size  }
0x9a: {  	s5 =	simm.s32 $_size__tile_overlayer_lowered;
	s6 =	simm.s32 $_tile_overlayer_lowered  }
0x9b: {  	s22 =	simm.s32 $0x1BFF;
	s21 =	sshll.u32 s6, $0x1;
	s3 =	sadd.s32 s4, s19  }
0x9c: {  	s7 =	simm.s32 $0x0;
	s20 =	sshll.u32 s5, $0x1;
	s5 =	sadd.s32 s21, s3  }
0x9d: {  	[timem:s7], [sflag:s22] =	dma.local [hbm:s5], s20  }
0x9e: {  	_ =	swait.ge [sflag:s22], s20  }
0x9f: {  	s4 =	ssub.s32 $0x0, s20;
	[sflag:s22] =	ssyncset.done $0x0  }
0xa0: {  	[sflag:s22] =	ssyncadd.s32 s4;
	_ =	sdelay $0x1  }
0xa1: {  	s23 =	simm.s32 $0x1B8B  }
0xa2: {  	_ =	swait.ge [sflag:s23], $0x1  }
0xa3: {  	[sflag:s23] =	ssyncset.done $0x0  }
0xa4: {  	s25 =	simm.s32 $0x1B8E;
	s24 =	sld [smem:$0x3FFE];
	[sflag:s23] =	ssyncadd.s32 $0xFFFFFFFF  }
0xa5: {  	s26 =	simm.s32 $execute0_lowered;
	[smem:$0x3FD2] =	sst s25  }
0xa6: {  	s5 =	sshll.u32 s26, $0x1;
	_ =	strace $0x80000049;
	[dreg:$0x1] =	wrdreg $0xFFFFFFFF  }
0xa7: {  	s28 =	simm.s32 $_size_execute0_lowered;
	s3 =	sadd.s32 s3, s5;
	[dreg:$0x0] =	wrdreg $0x0  }
0xa8: {  	s5 =	sshll.u32 s28, $0x1;
	[dreg:$0x2] =	wrdreg s3  }
0xa9: {  	[dreg:$0x3] =	wrdreg s5  }
0xaa: {  	[dreg:$0x4] =	wrdreg $0xC0  }
0xab: {  	_ =	task [dreg:s7], $0x5FFFF  }
0xac: {  	[dreg:$0x1] =	wrdreg $0xFFFFFFFF  }
0xad: {  	[dreg:$0x0] =	wrdreg $0x60  }
0xae: {  	[dreg:$0x2] =	wrdreg s24  }
0xaf: {  	[dreg:$0x3] =	wrdreg s2  }
0xb0: {  	[dreg:$0x4] =	wrdreg $0x9  }
0xb1: {  	_ =	task.clear_ibuf [dreg:s7], $0x5FFFF;
	_ =	strace $0x90000049  }
0xb2: {  	s29 =	simm.s32 $0x9;
	_ =	strace $0x8000004B  }
0xb3: {  	_ =	swait.ge [sflag:s29], $0x1  }
0xb4: {  	[sflag:s29] =	ssyncadd.s32 $0xFFFFFFFF  }
0xb5: {  	_ =	strace $0x9000004B  }
0xb6: {  	_ =	sfence  }
0xb7: {  	s30 =	sld [smem:$0x0];
	_ =	sdelay $0x2  }
0xb8: {  	s31 =	sshll.u32 s1, $0xD;
	s1 =	sshrl.u32 s1, $0x2  }
0xb9: {  	s3 =	sand.u32 $0x4000, s31;
	s1 =	sadd.s32 s1, s30  }
0xba: {  	s0 =	sor.u32 s3, s0;
	s1 =	sshll.u32 s1, $0x11  }
0xbb: {  	s0 =	sor.u32 s1, s0  }
0xbc: {  	s0 =	sadd.s32 $0x8F2B, s0  }
0xbd: {  	[sflag:s0] =	ssyncadd.remote.s32 $0x1  }
0xbe: {  	_ =	sfence.sel $0xFFFF  }
0xbf: {  	[dreg:$0x0] =	wrdreg $0xFFFFFFFF;
	(pc) =	sbr.abs _section_cstart, $3  }
0xc0: {  	[dreg:$0x1] =	wrdreg $0xFFFFFFFF  }
0xc1: {  	_ =	task.clear_ibuf [dreg:s7], $0x2FFFF;
	_ =	strace $0x9FFFFFFF  }
0xc2: {  	(tm) =	ssettm $0x7FFFFFFF  }
0xc3: {  	_ =	shalt  }
tec
execute0_lowered:
.L_overlay_start_1:
0x0: {  	(tag) =	ssettag $0x1  }
0x1: {  	s0 =	rddreg [dreg:$0x0]  }
0x2: {  	s2 =	rddreg [dreg:$0x1]  }
0x3: {  	s13 =	simm.s32 $0x0;
	s11 =	stileid.u32;
	s1 =	srdreg.scid  }
0x4: {  	s14 =	simm.s32 $0x3;
	s20 =	simm.s32 $0xC100;
	s21 =	simm.s32 $0xC900  }
0x5: {  	s22 =	simm.s32 $0xD100;
	s28 =	simm.s32 $0xF900;
	s29 =	simm.s32 $0x1  }
0x6: {  	s30 =	simm.s32 $0x800;
	s31 =	simm.s32 $0x2;
	[smem:$0x7FF] =	sst s13  }
0x7: {  	s3 =	sshll.u32 s11, $0x1;
	s1 =	sand.u32 $0x1, s1;
	s4 =	sadd.s32 $0x181200, s0  }
0x8: {  	s5 =	sadd.s32 $0xE00, s0;
	s12 =	sshrl.u32 s11, $0x3;
	s8 =	sadd.s32 $0x181400, s0  }
0x9: {  	s10 =	sadd.s32 $0x181500, s0;
	s23 =	sshll.u32 s11, $0x14;
	s11 =	sadd.s32 $0xE04, s0  }
0xa: {  	_ =	strace $0x8000004A;
	s3 =	sand.u32 $0xE, s3;
	s9 =	sshll.u32 s12, $0xC  }
0xb: {  	s24 =	sand.u32 $0x400000, s23;
	s25 =	sshll.u32 s12, $0x7;
	s23 =	simm.s32 $0xD900  }
0xc: {  	s3 =	sor.u32 s1, s3;
	s1 =	ssub.s32 $0x2, s1;
	s12 =	sor.u32 s24, s25  }
0xd: {  	s24 =	simm.s32 $0xE100;
	s3 =	sshll.u32 s3, $0x8;
	s7 =	sshrl.u32 s1, $0x1  }
0xe: {  	v2 =	vlaneseq.u32;
	s25 =	simm.s32 $0xE900;
	s6 =	sand.u32 $0x700, s3;
	s1 =	ssub.s32 s1, s7  }
0xf: {  	vm0 =	vmmov $0xffff;
	v1 =	vshrl.u32 v2, $0x3;
	s7 =	sadd.s32 $0x181300, s0;
	s9 =	sor.u32 s9, s3;
	s26 =	smax.u32 s1, $0x1  }
0x10: {  	v0 =	vand.u32 $0x7, v2;
	v2 =	vor.u32 $0x8, v2;
	v1 =	vmul.u32 $0x8, v1;
	s0 =	simm.s32 $0x80;
	[dreg:$0x4] =	wrdreg s26;
	s26 =	simm.s32 $0xF100  }
.LBB2_1:
0x11: {  	[dreg:$0x3] =	wrdreg s13;
	s1 =	simm.s32 $0x0  }
.LBB2_2:
0x12: {  	p0 =	seq.s32 s1, $0x0  }
0x13: {  	s3 =	simm.s32 @!p0 $0x1  }
0x14: {  	_ =	swait.ge @!p0 [sflag:s3], $0x8000  }
0x15: {  	[sflag:s3] =	ssyncset.done @!p0 $0x0  }
0x16: {  	s13 =	sshll.u32 s1, $0x6;
	[sflag:s3] =	ssyncadd.s32 @!p0 $0xFFFF8000;
	s3 =	simm.s32 @!p0 $0x2  }
0x17: {  	s15 =	sadd.s32 s9, s13;
	_ =	swait.ge @!p0 [sflag:s3], $0x8000  }
0x18: {  	s15 =	sshrl.u32 s15, $0x3;
	[sflag:s3] =	ssyncset.done @!p0 $0x0  }
0x19: {  	s16 =	sadd.s32 s5, s15;
	[sflag:s3] =	ssyncadd.s32 @!p0 $0xFFFF8000;
	s3 =	simm.s32 $0x0  }
0x1a: {  	[tilespmem:s3], [sflag:$0x3] =	stream.linear.gather [hbm4b:s16+s3], $0x20, $0x38;
	[tilespmem:$0x10100] =	vst v63  }
0x1b: {  	_ =	swait.ge [sflag:s14], $0x20  }
0x1c: {  	[sflag:s14] =	ssyncset.done $0x0  }
0x1d: {  	[sflag:s14] =	ssyncadd.s32 $0xFFFFFFE0  }
0x1e: {  	v3 =	vld [tilespmem:$0x0];
	_ =	sdelay $0x4  }
0x1f: {  	v4 =	vshll.u32 v3, $0x3  }
0x20: {  	v3 =	vand.u32 $0x7, v3;
	v4 =	vand.u32 $0xFFFFFFC0, v4  }
0x21: {  	v3 =	vor.u32 v3, v4  }
0x22: {  	v4 =	vperm.xlane v3, v0;
	_ =	sdelay $0x1  }
0x23: {  	v4 =	vadd.s32 v1, v4;
	_ =	sdelay $0x3  }
0x24: {  	s17 =	simm.s32 $0x100  }
0x25: {  	[tilespmem:s17], [sflag:$0x1] =	stream.indirect_vreg.gather [hbm4b:s4+s3], $0x80, v4, vm0, $0xb8;
	[tilespmem:$0x10100] =	vst v63  }
0x26: {  	s18 =	simm.s32 $0x900;
	v3 =	vperm.xlane v3, v2  }
0x27: {  	[tilespmem:s18], [sflag:$0x1] =	stream.indirect_vreg.gather [hbm4b:s7+s3], $0x80, v4, vm0, $0xb8;
	[tilespmem:$0x10100] =	vst v63  }
0x28: {  	s19 =	simm.s32 $0x1100;
	v3 =	vadd.s32 v1, v3  }
0x29: {  	[tilespmem:s19], [sflag:$0x1] =	stream.indirect_vreg.gather [hbm4b:s8+s3], $0x80, v4, vm0, $0xb8;
	[tilespmem:$0x10100] =	vst v63  }
0x2a: {  	s17 =	simm.s32 $0x1900  }
0x2b: {  	[tilespmem:s17], [sflag:$0x1] =	stream.indirect_vreg.gather [hbm4b:s10+s3], $0x80, v4, vm0, $0xb8;
	[tilespmem:$0x10100] =	vst v63  }
0x2c: {  	s18 =	simm.s32 $0x2100  }
0x2d: {  	[tilespmem:s18], [sflag:$0x1] =	stream.indirect_vreg.gather [hbm4b:s4+s3], $0x80, v3, vm0, $0xb8;
	[tilespmem:$0x10100] =	vst v63  }
0x2e: {  	s19 =	simm.s32 $0x2900  }
0x2f: {  	[tilespmem:s19], [sflag:$0x1] =	stream.indirect_vreg.gather [hbm4b:s7+s3], $0x80, v3, vm0, $0xb8;
	[tilespmem:$0x10100] =	vst v63  }
0x30: {  	s17 =	simm.s32 $0x3100  }
0x31: {  	[tilespmem:s17], [sflag:$0x1] =	stream.indirect_vreg.gather [hbm4b:s8+s3], $0x80, v3, vm0, $0xb8;
	[tilespmem:$0x10100] =	vst v63  }
0x32: {  	s18 =	simm.s32 $0x3900  }
0x33: {  	[tilespmem:s18], [sflag:$0x1] =	stream.indirect_vreg.gather [hbm4b:s10+s3], $0x80, v3, vm0, $0xb8;
	[tilespmem:$0x10100] =	vst v63  }
0x34: {  	v3 =	vld [tilespmem:$0x10];
	_ =	sdelay $0x4  }
0x35: {  	v61 =	vshll.u32 v3, $0x3  }
0x36: {  	v3 =	vand.u32 $0x7, v3;
	v4 =	vand.u32 $0xFFFFFFC0, v61  }
0x37: {  	v3 =	vor.u32 v3, v4  }
0x38: {  	v4 =	vperm.xlane v3, v0;
	_ =	sdelay $0x1  }
0x39: {  	v4 =	vadd.s32 v1, v4;
	_ =	sdelay $0x3  }
0x3a: {  	s19 =	simm.s32 $0x4100  }
0x3b: {  	[tilespmem:s19], [sflag:$0x1] =	stream.indirect_vreg.gather [hbm4b:s4+s3], $0x80, v4, vm0, $0xb8;
	[tilespmem:$0x10100] =	vst v63  }
0x3c: {  	s17 =	simm.s32 $0x4900;
	v3 =	vperm.xlane v3, v2  }
0x3d: {  	[tilespmem:s17], [sflag:$0x1] =	stream.indirect_vreg.gather [hbm4b:s7+s3], $0x80, v4, vm0, $0xb8;
	[tilespmem:$0x10100] =	vst v63  }
0x3e: {  	s18 =	simm.s32 $0x5100;
	v3 =	vadd.s32 v1, v3  }
0x3f: {  	[tilespmem:s18], [sflag:$0x1] =	stream.indirect_vreg.gather [hbm4b:s8+s3], $0x80, v4, vm0, $0xb8;
	[tilespmem:$0x10100] =	vst v63  }
0x40: {  	s19 =	simm.s32 $0x5900  }
0x41: {  	[tilespmem:s19], [sflag:$0x1] =	stream.indirect_vreg.gather [hbm4b:s10+s3], $0x80, v4, vm0, $0xb8;
	[tilespmem:$0x10100] =	vst v63  }
0x42: {  	s17 =	simm.s32 $0x6100  }
0x43: {  	[tilespmem:s17], [sflag:$0x1] =	stream.indirect_vreg.gather [hbm4b:s4+s3], $0x80, v3, vm0, $0xb8;
	[tilespmem:$0x10100] =	vst v63  }
0x44: {  	s18 =	simm.s32 $0x6900  }
0x45: {  	[tilespmem:s18], [sflag:$0x1] =	stream.indirect_vreg.gather [hbm4b:s7+s3], $0x80, v3, vm0, $0xb8;
	[tilespmem:$0x10100] =	vst v63  }
0x46: {  	s19 =	simm.s32 $0x7100  }
0x47: {  	[tilespmem:s19], [sflag:$0x1] =	stream.indirect_vreg.gather [hbm4b:s8+s3], $0x80, v3, vm0, $0xb8;
	[tilespmem:$0x10100] =	vst v63  }
0x48: {  	s17 =	simm.s32 $0x7900  }
0x49: {  	[tilespmem:s17], [sflag:$0x1] =	stream.indirect_vreg.gather [hbm4b:s10+s3], $0x80, v3, vm0, $0xb8;
	[tilespmem:$0x10100] =	vst v63  }
0x4a: {  	s15 =	sadd.s32 s15, s11  }
0x4b: {  	[tilespmem:s0], [sflag:$0x3] =	stream.linear.gather [hbm4b:s15+s3], $0x20, $0x38;
	[tilespmem:$0x10100] =	vst v63  }
0x4c: {  	_ =	swait.ge [sflag:s14], $0x20  }
0x4d: {  	[sflag:s14] =	ssyncset.done $0x0  }
0x4e: {  	[sflag:s14] =	ssyncadd.s32 $0xFFFFFFE0  }
0x4f: {  	v3 =	vld [tilespmem:$0x80];
	_ =	sdelay $0x4  }
0x50: {  	v62 =	vshll.u32 v3, $0x3  }
0x51: {  	v3 =	vand.u32 $0x7, v3;
	v4 =	vand.u32 $0xFFFFFFC0, v62  }
0x52: {  	v3 =	vor.u32 v3, v4  }
0x53: {  	v4 =	vperm.xlane v3, v0;
	_ =	sdelay $0x1  }
0x54: {  	v4 =	vadd.s32 v1, v4;
	_ =	sdelay $0x3  }
0x55: {  	s18 =	simm.s32 $0x8100  }
0x56: {  	[tilespmem:s18], [sflag:$0x2] =	stream.indirect_vreg.gather [hbm4b:s4+s3], $0x80, v4, vm0, $0xb8;
	[tilespmem:$0x10100] =	vst v63  }
0x57: {  	s19 =	simm.s32 $0x8900;
	v3 =	vperm.xlane v3, v2  }
0x58: {  	[tilespmem:s19], [sflag:$0x2] =	stream.indirect_vreg.gather [hbm4b:s7+s3], $0x80, v4, vm0, $0xb8;
	[tilespmem:$0x10100] =	vst v63  }
0x59: {  	s16 =	simm.s32 $0x9100;
	v3 =	vadd.s32 v1, v3  }
0x5a: {  	[tilespmem:s16], [sflag:$0x2] =	stream.indirect_vreg.gather [hbm4b:s8+s3], $0x80, v4, vm0, $0xb8;
	[tilespmem:$0x10100] =	vst v63  }
0x5b: {  	s17 =	simm.s32 $0x9900  }
0x5c: {  	[tilespmem:s17], [sflag:$0x2] =	stream.indirect_vreg.gather [hbm4b:s10+s3], $0x80, v4, vm0, $0xb8;
	[tilespmem:$0x10100] =	vst v63  }
0x5d: {  	s18 =	simm.s32 $0xA100  }
0x5e: {  	[tilespmem:s18], [sflag:$0x2] =	stream.indirect_vreg.gather [hbm4b:s4+s3], $0x80, v3, vm0, $0xb8;
	[tilespmem:$0x10100] =	vst v63  }
0x5f: {  	s19 =	simm.s32 $0xA900  }
0x60: {  	[tilespmem:s19], [sflag:$0x2] =	stream.indirect_vreg.gather [hbm4b:s7+s3], $0x80, v3, vm0, $0xb8;
	[tilespmem:$0x10100] =	vst v63  }
0x61: {  	s16 =	simm.s32 $0xB100  }
0x62: {  	[tilespmem:s16], [sflag:$0x2] =	stream.indirect_vreg.gather [hbm4b:s8+s3], $0x80, v3, vm0, $0xb8;
	[tilespmem:$0x10100] =	vst v63  }
0x63: {  	s17 =	simm.s32 $0xB900  }
0x64: {  	[tilespmem:s17], [sflag:$0x2] =	stream.indirect_vreg.gather [hbm4b:s10+s3], $0x80, v3, vm0, $0xb8;
	[tilespmem:$0x10100] =	vst v63  }
0x65: {  	v3 =	vld [tilespmem:$0x90];
	_ =	sdelay $0x4  }
0x66: {  	v63 =	vshll.u32 v3, $0x3  }
0x67: {  	v3 =	vand.u32 $0x7, v3;
	v4 =	vand.u32 $0xFFFFFFC0, v63  }
0x68: {  	v3 =	vor.u32 v3, v4  }
0x69: {  	v4 =	vperm.xlane v3, v0;
	_ =	sdelay $0x1  }
0x6a: {  	v4 =	vadd.s32 v1, v4;
	_ =	sdelay $0x4  }
0x6b: {  	[tilespmem:s20], [sflag:$0x2] =	stream.indirect_vreg.gather [hbm4b:s4+s3], $0x80, v4, vm0, $0xb8;
	[tilespmem:$0x10100] =	vst v63  }
0x6c: {  	v3 =	vperm.xlane v3, v2  }
0x6d: {  	[tilespmem:s21], [sflag:$0x2] =	stream.indirect_vreg.gather [hbm4b:s7+s3], $0x80, v4, vm0, $0xb8;
	[tilespmem:$0x10100] =	vst v63  }
0x6e: {  	v3 =	vadd.s32 v1, v3  }
0x6f: {  	[tilespmem:s22], [sflag:$0x2] =	stream.indirect_vreg.gather [hbm4b:s8+s3], $0x80, v4, vm0, $0xb8;
	[tilespmem:$0x10100] =	vst v63  }
0x70: {  	_ = 	snop  }
0x71: {  	[tilespmem:s23], [sflag:$0x2] =	stream.indirect_vreg.gather [hbm4b:s10+s3], $0x80, v4, vm0, $0xb8;
	[tilespmem:$0x10100] =	vst v63  }
0x72: {  	_ = 	snop  }
0x73: {  	[tilespmem:s24], [sflag:$0x2] =	stream.indirect_vreg.gather [hbm4b:s4+s3], $0x80, v3, vm0, $0xb8;
	[tilespmem:$0x10100] =	vst v63  }
0x74: {  	_ = 	snop  }
0x75: {  	[tilespmem:s25], [sflag:$0x2] =	stream.indirect_vreg.gather [hbm4b:s7+s3], $0x80, v3, vm0, $0xb8;
	[tilespmem:$0x10100] =	vst v63  }
0x76: {  	s13 =	sor.u32 s6, s13  }
0x77: {  	[tilespmem:s26], [sflag:$0x2] =	stream.indirect_vreg.gather [hbm4b:s8+s3], $0x80, v3, vm0, $0xb8;
	[tilespmem:$0x10100] =	vst v63  }
0x78: {  	s18 =	sshll.u32 s13, $0xB  }
0x79: {  	[tilespmem:s28], [sflag:$0x2] =	stream.indirect_vreg.gather [hbm4b:s10+s3], $0x80, v3, vm0, $0xb8;
	[tilespmem:$0x10100] =	vst v63  }
0x7a: {  	s3 =	sor.u32 s18, s12;
	_ =	swait.ge [sflag:s29], $0x8000  }
0x7b: {  	s13 =	sshrl.u32 s3, $0x3;
	[sflag:s29] =	ssyncset.done $0x0  }
0x7c: {  	s19 =	simm.s32 $0x100;
	s15 =	sadd.s32 s2, s13;
	[sflag:s29] =	ssyncadd.s32 $0xFFFF8000  }
0x7d: {  	[hbm4b:s15+s0] =	stream.strided.scatter [tilespmem:s19], [sflag:$0x1], $0x400, s30, s0, $0x38;
	[tilespmem:$0x10100] =	vst v63  }
0x7e: {  	s16 =	simm.s32 $0x500;
	s17 =	sadd.s32 $0x20, s15  }
0x7f: {  	[hbm4b:s17+s0] =	stream.strided.scatter [tilespmem:s16], [sflag:$0x1], $0x400, s30, s0, $0x38;
	[tilespmem:$0x10100] =	vst v63  }
0x80: {  	s18 =	simm.s32 $0x900;
	s19 =	sadd.s32 $0x40, s15  }
0x81: {  	[hbm4b:s19+s0] =	stream.strided.scatter [tilespmem:s18], [sflag:$0x1], $0x400, s30, s0, $0x38;
	[tilespmem:$0x10100] =	vst v63  }
0x82: {  	s16 =	simm.s32 $0xD00;
	s17 =	sadd.s32 $0x60, s15  }
0x83: {  	[hbm4b:s17+s0] =	stream.strided.scatter [tilespmem:s16], [sflag:$0x1], $0x400, s30, s0, $0x38;
	[tilespmem:$0x10100] =	vst v63  }
0x84: {  	s18 =	simm.s32 $0x1100;
	s19 =	sadd.s32 $0x80, s15  }
0x85: {  	[hbm4b:s19+s0] =	stream.strided.scatter [tilespmem:s18], [sflag:$0x1], $0x400, s30, s0, $0x38;
	[tilespmem:$0x10100] =	vst v63  }
0x86: {  	s3 =	simm.s32 $0x2000;
	s16 =	simm.s32 $0x1500;
	s17 =	sadd.s32 $0xA0, s15  }
0x87: {  	[hbm4b:s17+s0] =	stream.strided.scatter [tilespmem:s16], [sflag:$0x1], $0x400, s30, s0, $0x38;
	[tilespmem:$0x10100] =	vst v63  }
0x88: {  	s18 =	simm.s32 $0x1900;
	s19 =	sadd.s32 $0xC0, s15;
	s16 =	simm.s32 $0x10000  }
0x89: {  	[hbm4b:s19+s0] =	stream.strided.scatter [tilespmem:s18], [sflag:$0x1], $0x400, s30, s0, $0x38;
	[tilespmem:$0x10100] =	vst v63  }
0x8a: {  	s17 =	simm.s32 $0x1D00;
	s18 =	sadd.s32 $0xE0, s15;
	s15 =	sadd.s32 $0x800, s15  }
.LBB2_3:
0x8b: {  	[hbm4b:s18+s0] =	stream.strided.scatter [tilespmem:s17], [sflag:$0x1], $0x400, s30, s0, $0x38;
	[tilespmem:$0x10100] =	vst v63  }
0x8c: {  	s17 =	smov.u32 s3;
	s3 =	smov.u32 s16  }
0x8d: {  	s19 =	sadd.s32 $0x8000, s16;
	s3 =	sshra.s32 s3, $0x2;
	s18 =	sadd.s32 $0x100, s17  }
0x8e: {  	[hbm4b:s15+s0] =	stream.strided.scatter [tilespmem:s18], [sflag:$0x1], $0x400, s30, s0, $0x38;
	[tilespmem:$0x10100] =	vst v63  }
0x8f: {  	p0 =	sne.s32 s16, $0x18000;
	s16 =	sadd.s32 $0x500, s17;
	s18 =	sadd.s32 $0x20, s15  }
0x90: {  	[hbm4b:s18+s0] =	stream.strided.scatter [tilespmem:s16], [sflag:$0x1], $0x400, s30, s0, $0x38;
	[tilespmem:$0x10100] =	vst v63  }
0x91: {  	s16 =	sadd.s32 $0x900, s17;
	s18 =	sadd.s32 $0x40, s15  }
0x92: {  	[hbm4b:s18+s0] =	stream.strided.scatter [tilespmem:s16], [sflag:$0x1], $0x400, s30, s0, $0x38;
	[tilespmem:$0x10100] =	vst v63  }
0x93: {  	s16 =	sadd.s32 $0xD00, s17;
	s18 =	sadd.s32 $0x60, s15  }
0x94: {  	[hbm4b:s18+s0] =	stream.strided.scatter [tilespmem:s16], [sflag:$0x1], $0x400, s30, s0, $0x38;
	[tilespmem:$0x10100] =	vst v63  }
0x95: {  	s16 =	sadd.s32 $0x1100, s17;
	s18 =	sadd.s32 $0x80, s15  }
0x96: {  	[hbm4b:s18+s0] =	stream.strided.scatter [tilespmem:s16], [sflag:$0x1], $0x400, s30, s0, $0x38;
	[tilespmem:$0x10100] =	vst v63  }
.Ltmp0:
0x97: {  	s16 =	sadd.s32 $0x1500, s17;
	s18 =	sadd.s32 $0xA0, s15;
	(pc) =	sbr.rel @p0 .LBB2_3-.Ltmp0, $4  }
0x98: {  	[hbm4b:s18+s0] =	stream.strided.scatter [tilespmem:s16], [sflag:$0x1], $0x400, s30, s0, $0x38;
	[tilespmem:$0x10100] =	vst v63  }
0x99: {  	s16 =	sadd.s32 $0x1900, s17;
	s18 =	sadd.s32 $0xC0, s15;
	s17 =	sadd.s32 $0x1D00, s17  }
0x9a: {  	[hbm4b:s18+s0] =	stream.strided.scatter [tilespmem:s16], [sflag:$0x1], $0x400, s30, s0, $0x38;
	[tilespmem:$0x10100] =	vst v63  }
0x9b: {  	s18 =	sadd.s32 $0xE0, s15;
	s15 =	sadd.s32 $0x800, s15;
	s16 =	smov.u32 s19  }
0x9c: {  	[hbm4b:s18+s0] =	stream.strided.scatter [tilespmem:s17], [sflag:$0x1], $0x400, s30, s0, $0x38;
	[tilespmem:$0x10100] =	vst v63  }
0x9d: {  	s16 =	sadd.s32 $0x100, s3  }
0x9e: {  	[hbm4b:s15+s0] =	stream.strided.scatter [tilespmem:s16], [sflag:$0x1], $0x400, s30, s0, $0x38;
	[tilespmem:$0x10100] =	vst v63  }
0x9f: {  	s18 =	sadd.s32 $0x500, s3;
	s19 =	sadd.s32 $0x20, s15  }
0xa0: {  	[hbm4b:s19+s0] =	stream.strided.scatter [tilespmem:s18], [sflag:$0x1], $0x400, s30, s0, $0x38;
	[tilespmem:$0x10100] =	vst v63  }
0xa1: {  	s18 =	sadd.s32 $0x900, s3;
	s19 =	sadd.s32 $0x40, s15  }
0xa2: {  	[hbm4b:s19+s0] =	stream.strided.scatter [tilespmem:s18], [sflag:$0x1], $0x400, s30, s0, $0x38;
	[tilespmem:$0x10100] =	vst v63  }
0xa3: {  	s18 =	sadd.s32 $0xD00, s3;
	s19 =	sadd.s32 $0x60, s15  }
0xa4: {  	[hbm4b:s19+s0] =	stream.strided.scatter [tilespmem:s18], [sflag:$0x1], $0x400, s30, s0, $0x38;
	[tilespmem:$0x10100] =	vst v63  }
0xa5: {  	s18 =	sadd.s32 $0x1100, s3;
	s19 =	sadd.s32 $0x80, s15  }
0xa6: {  	[hbm4b:s19+s0] =	stream.strided.scatter [tilespmem:s18], [sflag:$0x1], $0x400, s30, s0, $0x38;
	[tilespmem:$0x10100] =	vst v63  }
0xa7: {  	s18 =	sadd.s32 $0x1500, s3;
	s19 =	sadd.s32 $0xA0, s15  }
0xa8: {  	[hbm4b:s19+s0] =	stream.strided.scatter [tilespmem:s18], [sflag:$0x1], $0x400, s30, s0, $0x38;
	[tilespmem:$0x10100] =	vst v63  }
0xa9: {  	s18 =	sadd.s32 $0x1900, s3;
	s19 =	sadd.s32 $0xC0, s15  }
0xaa: {  	[hbm4b:s19+s0] =	stream.strided.scatter [tilespmem:s18], [sflag:$0x1], $0x400, s30, s0, $0x38;
	[tilespmem:$0x10100] =	vst v63  }
0xab: {  	s18 =	sadd.s32 $0x1D00, s3;
	s19 =	sadd.s32 $0xE0, s15  }
0xac: {  	[hbm4b:s19+s0] =	stream.strided.scatter [tilespmem:s18], [sflag:$0x1], $0x400, s30, s0, $0x38;
	[tilespmem:$0x10100] =	vst v63  }
0xad: {  	_ =	swait.ge [sflag:s31], $0x8000  }
0xae: {  	s13 =	sor.u32 $0x2000, s13;
	[sflag:s31] =	ssyncset.done $0x0  }
0xaf: {  	s13 =	sadd.s32 s2, s13;
	s15 =	simm.s32 $0x8100;
	[sflag:s31] =	ssyncadd.s32 $0xFFFF8000  }
0xb0: {  	[hbm4b:s13+s0] =	stream.strided.scatter [tilespmem:s15], [sflag:$0x2], $0x400, s30, s0, $0x38;
	[tilespmem:$0x10100] =	vst v63  }
0xb1: {  	s16 =	simm.s32 $0x8500;
	s17 =	sadd.s32 $0x20, s13  }
0xb2: {  	[hbm4b:s17+s0] =	stream.strided.scatter [tilespmem:s16], [sflag:$0x2], $0x400, s30, s0, $0x38;
	[tilespmem:$0x10100] =	vst v63  }
0xb3: {  	s3 =	simm.s32 $0x2000;
	s18 =	simm.s32 $0x8900;
	s19 =	sadd.s32 $0x40, s13  }
0xb4: {  	[hbm4b:s19+s0] =	stream.strided.scatter [tilespmem:s18], [sflag:$0x2], $0x400, s30, s0, $0x38;
	[tilespmem:$0x10100] =	vst v63  }
0xb5: {  	s15 =	simm.s32 $0x10000;
	s16 =	simm.s32 $0x8D00;
	s17 =	sadd.s32 $0x60, s13  }
0xb6: {  	[hbm4b:s17+s0] =	stream.strided.scatter [tilespmem:s16], [sflag:$0x2], $0x400, s30, s0, $0x38;
	[tilespmem:$0x10100] =	vst v63  }
0xb7: {  	s18 =	simm.s32 $0x9100;
	s19 =	sadd.s32 $0x80, s13;
	s16 =	simm.s32 $0x9500  }
0xb8: {  	[hbm4b:s19+s0] =	stream.strided.scatter [tilespmem:s18], [sflag:$0x2], $0x400, s30, s0, $0x38;
	[tilespmem:$0x10100] =	vst v63  }
0xb9: {  	s17 =	sadd.s32 $0xA0, s13;
	s18 =	simm.s32 $0x9900;
	s19 =	sadd.s32 $0xC0, s13  }
0xba: {  	[hbm4b:s17+s0] =	stream.strided.scatter [tilespmem:s16], [sflag:$0x2], $0x400, s30, s0, $0x38;
	[tilespmem:$0x10100] =	vst v63  }
0xbb: {  	s16 =	simm.s32 $0x9D00;
	s17 =	sadd.s32 $0xE0, s13;
	s13 =	sadd.s32 $0x800, s13  }
0xbc: {  	[hbm4b:s19+s0] =	stream.strided.scatter [tilespmem:s18], [sflag:$0x2], $0x400, s30, s0, $0x38;
	[tilespmem:$0x10100] =	vst v63  }
.LBB2_5:
0xbd: {  	[hbm4b:s17+s0] =	stream.strided.scatter [tilespmem:s16], [sflag:$0x2], $0x400, s30, s0, $0x38;
	[tilespmem:$0x10100] =	vst v63  }
0xbe: {  	s16 =	smov.u32 s3;
	s3 =	smov.u32 s15  }
0xbf: {  	s18 =	sadd.s32 $0x8000, s15;
	s3 =	sshra.s32 s3, $0x2;
	s17 =	sadd.s32 $0x8100, s16  }
0xc0: {  	[hbm4b:s13+s0] =	stream.strided.scatter [tilespmem:s17], [sflag:$0x2], $0x400, s30, s0, $0x38;
	[tilespmem:$0x10100] =	vst v63  }
0xc1: {  	p0 =	sne.s32 s15, $0x18000;
	s15 =	sadd.s32 $0x8500, s16;
	s17 =	sadd.s32 $0x20, s13  }
0xc2: {  	[hbm4b:s17+s0] =	stream.strided.scatter [tilespmem:s15], [sflag:$0x2], $0x400, s30, s0, $0x38;
	[tilespmem:$0x10100] =	vst v63  }
0xc3: {  	s15 =	sadd.s32 $0x8900, s16;
	s17 =	sadd.s32 $0x40, s13  }
0xc4: {  	[hbm4b:s17+s0] =	stream.strided.scatter [tilespmem:s15], [sflag:$0x2], $0x400, s30, s0, $0x38;
	[tilespmem:$0x10100] =	vst v63  }
0xc5: {  	s15 =	sadd.s32 $0x8D00, s16;
	s17 =	sadd.s32 $0x60, s13  }
0xc6: {  	[hbm4b:s17+s0] =	stream.strided.scatter [tilespmem:s15], [sflag:$0x2], $0x400, s30, s0, $0x38;
	[tilespmem:$0x10100] =	vst v63  }
0xc7: {  	s15 =	sadd.s32 $0x9100, s16;
	s17 =	sadd.s32 $0x80, s13  }
0xc8: {  	[hbm4b:s17+s0] =	stream.strided.scatter [tilespmem:s15], [sflag:$0x2], $0x400, s30, s0, $0x38;
	[tilespmem:$0x10100] =	vst v63  }
.Ltmp1:
0xc9: {  	s15 =	sadd.s32 $0x9500, s16;
	s17 =	sadd.s32 $0xA0, s13;
	(pc) =	sbr.rel @p0 .LBB2_5-.Ltmp1, $4  }
0xca: {  	[hbm4b:s17+s0] =	stream.strided.scatter [tilespmem:s15], [sflag:$0x2], $0x400, s30, s0, $0x38;
	[tilespmem:$0x10100] =	vst v63  }
0xcb: {  	s15 =	sadd.s32 $0x9900, s16;
	s17 =	sadd.s32 $0xC0, s13;
	s16 =	sadd.s32 $0x9D00, s16  }
0xcc: {  	[hbm4b:s17+s0] =	stream.strided.scatter [tilespmem:s15], [sflag:$0x2], $0x400, s30, s0, $0x38;
	[tilespmem:$0x10100] =	vst v63  }
0xcd: {  	s17 =	sadd.s32 $0xE0, s13;
	s13 =	sadd.s32 $0x800, s13;
	s15 =	smov.u32 s18  }
0xce: {  	[hbm4b:s17+s0] =	stream.strided.scatter [tilespmem:s16], [sflag:$0x2], $0x400, s30, s0, $0x38;
	[tilespmem:$0x10100] =	vst v63  }
0xcf: {  	s15 =	sadd.s32 $0x8100, s3  }
0xd0: {  	[hbm4b:s13+s0] =	stream.strided.scatter [tilespmem:s15], [sflag:$0x2], $0x400, s30, s0, $0x38;
	[tilespmem:$0x10100] =	vst v63  }
0xd1: {  	s18 =	sadd.s32 $0x8500, s3;
	s19 =	sadd.s32 $0x20, s13  }
0xd2: {  	[hbm4b:s19+s0] =	stream.strided.scatter [tilespmem:s18], [sflag:$0x2], $0x400, s30, s0, $0x38;
	[tilespmem:$0x10100] =	vst v63  }
0xd3: {  	s16 =	sadd.s32 $0x8900, s3;
	s17 =	sadd.s32 $0x40, s13  }
0xd4: {  	[hbm4b:s17+s0] =	stream.strided.scatter [tilespmem:s16], [sflag:$0x2], $0x400, s30, s0, $0x38;
	[tilespmem:$0x10100] =	vst v63  }
0xd5: {  	s18 =	sadd.s32 $0x8D00, s3;
	s19 =	sadd.s32 $0x60, s13  }
0xd6: {  	[hbm4b:s19+s0] =	stream.strided.scatter [tilespmem:s18], [sflag:$0x2], $0x400, s30, s0, $0x38;
	[tilespmem:$0x10100] =	vst v63  }
0xd7: {  	s1 =	sadd.s32 $0x1, s1;
	s16 =	sadd.s32 $0x9100, s3;
	s17 =	sadd.s32 $0x80, s13  }
0xd8: {  	[hbm4b:s17+s0] =	stream.strided.scatter [tilespmem:s16], [sflag:$0x2], $0x400, s30, s0, $0x38;
	[tilespmem:$0x10100] =	vst v63  }
0xd9: {  	p0 =	sne.s32 s1, $0x4;
	s18 =	sadd.s32 $0x9500, s3;
	s19 =	sadd.s32 $0xA0, s13  }
0xda: {  	[hbm4b:s19+s0] =	stream.strided.scatter [tilespmem:s18], [sflag:$0x2], $0x400, s30, s0, $0x38;
	[tilespmem:$0x10100] =	vst v63  }
.Ltmp2:
0xdb: {  	_ = 	snop;
	(pc) =	sbr.rel @p0 .LBB2_2-.Ltmp2, $4  }
0xdc: {  	s16 =	sadd.s32 $0x9900, s3;
	s17 =	sadd.s32 $0xC0, s13  }
0xdd: {  	[hbm4b:s17+s0] =	stream.strided.scatter [tilespmem:s16], [sflag:$0x2], $0x400, s30, s0, $0x38;
	[tilespmem:$0x10100] =	vst v63  }
0xde: {  	s18 =	sadd.s32 $0x9D00, s3;
	s19 =	sadd.s32 $0xE0, s13  }
0xdf: {  	[hbm4b:s19+s0] =	stream.strided.scatter [tilespmem:s18], [sflag:$0x2], $0x400, s30, s0, $0x38;
	[tilespmem:$0x10100] =	vst v63  }
0xe0: {  	_ =	swait.ge [sflag:s29], $0x8000  }
0xe1: {  	[sflag:s29] =	ssyncset.done $0x0  }
0xe2: {  	[sflag:s29] =	ssyncadd.s32 $0xFFFF8000  }
0xe3: {  	_ =	swait.ge [sflag:s31], $0x8000  }
0xe4: {  	s13 =	rddreg [dreg:$0x3]  }
0xe5: {  	s1 =	rddreg [dreg:$0x4];
	s13 =	sadd.s32 $0x1, s13  }
0xe6: {  	p0 =	sne.s32 s13, s1  }
.Ltmp3:
0xe7: {  	_ = 	snop;
	(pc) =	sbr.rel @p0 .LBB2_1-.Ltmp3, $3  }
0xe8: {  	_ =	sdelay $0x1  }
0xe9: {  	[sflag:s31] =	ssyncset.done $0x0  }
0xea: {  	[sflag:s31] =	ssyncadd.s32 $0xFFFF8000  }
0xeb: {  	_ =	sfence.sel $0x180000  }
0xec: {  	[bflag:$0x0] =	sbarrier.arrive $0xFFFF  }
0xed: {  	_ =	strace $0x9000004A  }
0xee: {  	s0 =	stileid.u32;
	[bflag:$0x2] =	sbarrier.arrive $0xFFFF  }
0xef: {  	p0 =	sne.s32 s0, $0x0;
	s0 =	rddreg [dreg:$0x2]  }
0xf0: {  	s0 =	sadd.s32 @!p0 $0x100000, s0  }
0xf1: {  	[sflag:s0] =	ssyncadd.tile.s32 @!p0 $0x1;
	_ =	shalt  }
.Lfunc_end2:
_tile_overlayer_lowered:
.L_overlay_start_2:
0xf2: {  	(tag) =	ssettag $0x2  }
0xf3: {  	s0 =	rddreg [dreg:$0x0];
	s2 =	stileid.u32  }
0xf4: {  	s1 =	rddreg [dreg:$0x1];
	p0 =	sne.s32 s2, $0x0  }
0xf5: {  	s3 =	rddreg [dreg:$0x2];
	[bflag:$0x3] =	sbarrier.arrive $0xFFFF;
	s2 =	simm.s32 @!p0 $0x1C03  }
0xf6: {  	[timem:s3], [sflag:s2] =	dma.local @!p0 [hbm:s0], s1  }
0xf7: {  	s0 =	simm.s32 @!p0 $0x3  }
0xf8: {  	_ =	swait.ge @!p0 [sflag:s0], s1  }
0xf9: {  	s1 =	ssub.s32 @!p0 $0x0, s1;
	[sflag:s0] =	ssyncset.done @!p0 $0x0  }
0xfa: {  	[sflag:s0] =	ssyncadd.s32 @!p0 s1  }
0xfb: {  	[bflag:$0x3] =	sbarrier.arrive $0xFFFF  }
0xfc: {  	_ =	shalt  }

</sc_bundles>
